<compile_context>
chip_gen: v7x
topology: tpu7x:2x2x1
jax: 0.10.2.dev20260603
libtpu: 0.0.44.dev20260713+nightly
codegen_flags: <defaults>
</compile_context>

<pallas_src>
import jax
import jax.numpy as jnp
from jax import lax
from jax.experimental import pallas as pl
from jax.experimental.pallas import tpu as pltpu

_N = 5000
_P = 5120
_BLK = 128
_G = _P // _BLK
_M = 16
_IOU_T = 0.3
_SCORE_T = 0.2


def _row_feats(br):
    cx, cy = br[:, 0:1], br[:, 1:2]
    dx, dy = br[:, 3:4], br[:, 4:5]
    return (cx - dx * 0.5, cx + dx * 0.5, cy - dy * 0.5, cy + dy * 0.5,
            dx * dy, br[:, 7:8])


def _col_feats(bt):
    cx, cy = bt[0:1, :], bt[1:2, :]
    dx, dy = bt[3:4, :], bt[4:5, :]
    return (cx - dx * 0.5, cx + dx * 0.5, cy - dy * 0.5, cy + dy * 0.5,
            dx * dy, bt[7:8, :])


def _overlap(rowf, colf):
    x1r, x2r, y1r, y2r, ar, lr = rowf
    x1c, x2c, y1c, y2c, ac, lc = colf
    ix = jnp.maximum(0.0, jnp.minimum(x2r, x2c) - jnp.maximum(x1r, x1c))
    iy = jnp.maximum(0.0, jnp.minimum(y2r, y2c) - jnp.maximum(y1r, y1c))
    inter = ix * iy
    iou = inter / jnp.maximum(ar + ac - inter, 1e-6)
    same = lr == lc
    return iou, (iou > _IOU_T) & same


def _fused_kernel(br_ref, btb_ref, bt_ref, st_ref, bg_ref,
                  w1_ref, b1_ref, w2_ref, b2_ref,
                  supp_ref, out_ref, m_ref, g_ref):
    i = pl.program_id(0)

    @pl.when(i == 0)
    def _init():
        supp_ref[...] = (st_ref[...] <= _SCORE_T).astype(jnp.float32)

    rowf = _row_feats(br_ref[...])
    _, ovl_b = _overlap(rowf, _col_feats(btb_ref[...]))
    col_iota = lax.broadcasted_iota(jnp.int32, (1, _P), 1)
    row_iota = lax.broadcasted_iota(jnp.int32, (_BLK, 1), 0)
    lane2 = lax.broadcasted_iota(jnp.int32, (_BLK, _BLK), 1)
    row2 = lax.broadcasted_iota(jnp.int32, (_BLK, _BLK), 0)

    supp_old = supp_ref[...]
    base = pl.multiple_of(i * _BLK, _BLK)
    sub0 = supp_ref[0:1, pl.ds(base, _BLK)].T
    valid_col = sub0 == 0.0

    m_low = ovl_b.astype(jnp.float32) * (lane2 < row2).astype(jnp.float32)

    def fp_cond(c):
        k_row, prev = c
        return jnp.any(k_row != prev)

    def fp_body(c):
        k_row, _ = c
        s_col = jnp.sum(m_low * k_row, axis=1, keepdims=True)
        new_col = (valid_col & (s_col == 0.0)).astype(jnp.float32)
        return new_col.T, k_row

    k_row0 = valid_col.astype(jnp.float32).T
    k_row, _ = lax.while_loop(fp_cond, fp_body, (k_row0, k_row0 - 2.0))
    kept = k_row.T
    sub = 1.0 - kept

    iou, ov = _overlap(rowf, _col_feats(bt_ref[...]))
    ovf = ov.astype(jnp.float32)
    prop = (jnp.sum(ovf * kept, axis=0, keepdims=True) > 0).astype(jnp.float32)
    later = (col_iota >= (i + 1) * _BLK).astype(jnp.float32)
    supp_ref[...] = jnp.maximum(supp_old, prop * later)
    supp_ref[0:1, pl.ds(base, _BLK)] = sub.T

    m_ref[...] = jnp.where(ov, iou, -1.0)
    g_ref[...] = jnp.zeros((_M * _BLK, 8), jnp.float32)

    cnt = jnp.sum(ovf, axis=1, keepdims=True)
    trip = jnp.minimum(jnp.int32(_M), jnp.max(cnt).astype(jnp.int32))
    ci = col_iota
    bg = bg_ref[...]

    def body(k, _):
        masked = m_ref[...]
        v = jnp.max(masked, axis=1, keepdims=True)
        eq = masked == v
        idx = jnp.min(jnp.where(eq, ci, jnp.int32(2 ** 30)),
                      axis=1, keepdims=True)
        one = eq & (ci == idx)
        m_ref[...] = jnp.where(one, -2.0, masked)
        oh = (one & (v > _IOU_T)).astype(jnp.float32)
        g = jnp.dot(oh, bg, preferred_element_type=jnp.float32)
        g_ref[pl.ds(k * _BLK, _BLK), :] = jnp.concatenate(
            [g[:, 0:7], v], axis=1)
        return 0

    lax.fori_loop(0, trip, body, 0)

    gall = g_ref[...]
    feat = jnp.tanh(jnp.dot(gall, w1_ref[...],
                            preferred_element_type=jnp.float32) + b1_ref[...])
    lg_all = jnp.sum(feat * w2_ref[...], axis=1, keepdims=True) + b2_ref[...]

    groups, logits = [], []
    for k in range(_M):
        gk = gall[k * _BLK:(k + 1) * _BLK, :]
        valid = gk[:, 7:8] > _IOU_T
        groups.append(jnp.where(valid, gk, 0.0))
        logits.append(jnp.where(valid, lg_all[k * _BLK:(k + 1) * _BLK, :],
                                -1e9))

    lg = jnp.concatenate(logits, axis=1)
    m = jnp.max(lg, axis=1, keepdims=True)
    e = jnp.exp(lg - m)
    w = e / jnp.sum(e, axis=1, keepdims=True)

    merged = groups[0] * w[:, 0:1]
    for k in range(1, _M):
        merged = merged + groups[k] * w[:, k:k + 1]

    sizes = jnp.where(merged[:, 3:6] <= 0.0, br_ref[:, 3:6], merged[:, 3:6])
    out8 = jnp.concatenate([merged[:, 0:3], sizes, merged[:, 6:8]], axis=1)
    out_ref[...] = jnp.where(kept > 0.0, out8, 0.0)


def kernel(boxes, scores, labels, W1, b1, W2, b2):
    order = jnp.argsort(-scores)
    b = boxes[order]
    s = scores[order]
    l = labels[order].astype(jnp.float32)

    pad = _P - _N
    b7 = jnp.pad(b, ((0, pad), (0, 0)))
    lp = jnp.pad(l, (0, pad), constant_values=-1.0)
    sp = jnp.pad(s, (0, pad), constant_values=-1.0)

    br_all = jnp.concatenate([b7, lp[:, None]], axis=1)
    bt = br_all.T
    bg = jnp.concatenate([b7, jnp.zeros((_P, 1), jnp.float32)], axis=1)
    st = sp[None, :]

    w1p = jnp.pad(W1, ((0, 1), (0, 0)))
    b1r = b1[None, :]
    w2r = W2[:, 0][None, :]
    b2s = b2.reshape(1, 1)

    _, out = pl.pallas_call(
        _fused_kernel,
        grid=(_G,),
        in_specs=[
            pl.BlockSpec((_BLK, 8), lambda i: (i, 0)),
            pl.BlockSpec((8, _BLK), lambda i: (0, i)),
            pl.BlockSpec((8, _P), lambda i: (0, 0)),
            pl.BlockSpec((1, _P), lambda i: (0, 0)),
            pl.BlockSpec((_P, 8), lambda i: (0, 0)),
            pl.BlockSpec((8, 32), lambda i: (0, 0)),
            pl.BlockSpec((1, 32), lambda i: (0, 0)),
            pl.BlockSpec((1, 32), lambda i: (0, 0)),
            pl.BlockSpec((1, 1), lambda i: (0, 0)),
        ],
        out_specs=[
            pl.BlockSpec((1, _P), lambda i: (0, 0)),
            pl.BlockSpec((_BLK, 8), lambda i: (i, 0)),
        ],
        out_shape=[
            jax.ShapeDtypeStruct((1, _P), jnp.float32),
            jax.ShapeDtypeStruct((_P, 8), jnp.float32),
        ],
        scratch_shapes=[
            pltpu.VMEM((_BLK, _P), jnp.float32),
            pltpu.VMEM((_M * _BLK, 8), jnp.float32),
        ],
    )(br_all, bt, bt, st, bg, w1p, b1r, w2r, b2s)

    return out[:_N, :7]

# --- scband reference (transcript-rebuilt; emitter-appended) ---
"""Pipeline reference for scband-ensemble-51058571214927 (READ-ONLY COPY).

The authoritative reference and input builder live on the scoring server;
editing this copy changes nothing except your own understanding.
"""

import jax, jax.numpy as jnp
import numpy as np

N = 5000
MAX_MERGE = 16
IOU_THRESH = 0.3
SCORE_THRESH = 0.2


def _bev_iou(boxes):
    # axis-aligned BEV IoU approximation of boxes3d_nearest_bev_iou
    cx, cy, dx, dy = boxes[:, 0], boxes[:, 1], boxes[:, 3], boxes[:, 4]
    x1, x2 = cx - dx / 2.0, cx + dx / 2.0
    y1, y2 = cy - dy / 2.0, cy + dy / 2.0
    ix = jnp.maximum(0.0, jnp.minimum(x2[:, None], x2[None, :]) - jnp.maximum(x1[:, None], x1[None, :]))
    iy = jnp.maximum(0.0, jnp.minimum(y2[:, None], y2[None, :]) - jnp.maximum(y1[:, None], y1[None, :]))
    inter = ix * iy
    area = dx * dy
    union = area[:, None] + area[None, :] - inter
    return inter / jnp.maximum(union, 1e-6)


def setup_inputs(seed: int = 0) -> dict:
    key = jax.random.key(seed)
    ks = jax.random.split(key, 10)
    xy = jax.random.uniform(ks[0], (N, 2), dtype=jnp.float32) * 100.0
    z = jax.random.uniform(ks[1], (N, 1), dtype=jnp.float32) * 4.0 - 2.0
    size = jax.random.uniform(ks[2], (N, 3), dtype=jnp.float32) * 3.0 + 1.0
    heading = jax.random.uniform(ks[3], (N, 1), dtype=jnp.float32) * (2.0 * np.pi) - np.pi
    boxes = jnp.concatenate([xy, z, size, heading], axis=-1)
    scores = jax.random.uniform(ks[4], (N,), dtype=jnp.float32)
    labels = jax.random.randint(ks[5], (N,), 0, 3)
    W1 = jax.random.normal(ks[6], (7, 32), dtype=jnp.float32) * 0.1
    b1 = jnp.zeros((32,), dtype=jnp.float32)
    W2 = jax.random.normal(ks[7], (32, 1), dtype=jnp.float32) * 0.1
    b2 = jnp.zeros((1,), dtype=jnp.float32)
    return {"boxes": boxes, "scores": scores, "labels": labels,
            "W1": W1, "b1": b1, "W2": W2, "b2": b2}


def reference(boxes, scores, labels, W1, b1, W2, b2):
    n = boxes.shape[0]
    # sort by confidence descending (as in non_max_suppression)
    order = jnp.argsort(-scores)
    b = boxes[order]
    s = scores[order]
    l = labels[order]
    sgb = jax.lax.stop_gradient(b)
    iou = _bev_iou(sgb)
    same = l[:, None] == l[None, :]
    overlap = (iou > IOU_THRESH) & same
    valid = jax.lax.stop_gradient(s > SCORE_THRESH)
    idxs = jnp.arange(n)

    # greedy class-aware NMS suppression sweep
    def body(suppressed, i):
        row = overlap[i] & (idxs > i)
        new = jnp.where(~suppressed[i], suppressed | row, suppressed)
        return new, None

    suppressed, _ = jax.lax.scan(body, ~valid, jnp.arange(n))
    keep = (~suppressed) & valid

    # gather up to MAX_MERGE overlapping same-class candidates per anchor box
    masked_iou = jnp.where(overlap, iou, -1.0)
    top_vals, top_idx = jax.lax.top_k(masked_iou, MAX_MERGE)
    slot_valid = top_vals > IOU_THRESH
    groups = b[top_idx] * slot_valid[..., None].astype(b.dtype)  # [n, M, 7]

    # WeightMergeNet: per-slot MLP -> softmax weights -> weighted box fusion
    feat = jnp.tanh(groups @ W1 + b1)            # [n, M, 32]
    logit = (feat @ W2 + b2)[..., 0]             # [n, M]
    logit = jnp.where(slot_valid, logit, -1e9)
    w = jax.nn.softmax(logit, axis=-1)
    merged = jnp.einsum('nm,nmd->nd', w, groups)  # [n, 7]

    # fallback: box sizes must stay > 0 (masked_scatter_ on dims 3:6)
    sizes = jnp.where(merged[:, 3:6] <= 0.0, b[:, 3:6], merged[:, 3:6])
    merged = jnp.concatenate([merged[:, :3], sizes, merged[:, 6:]], axis=-1)
    out = jnp.where(keep[:, None], merged, 0.0)
    return out

if __name__ == "__main__":
    import jax
    _d = setup_inputs()
    print(jax.jit(kernel)(*tuple(_d.values())))

</pallas_src>

<mosaic_0001>
module attributes {stable_mosaic.version = 14 : i64} {
  func.func @_fused_kernel(%arg0: i32, %arg1: memref<128x8xf32, #tpu.memory_space<vmem>>, %arg2: memref<8x128xf32, #tpu.memory_space<vmem>>, %arg3: memref<8x5120xf32, #tpu.memory_space<vmem>>, %arg4: memref<1x5120xf32, #tpu.memory_space<vmem>>, %arg5: memref<5120x8xf32, #tpu.memory_space<vmem>>, %arg6: memref<8x32xf32, #tpu.memory_space<vmem>>, %arg7: memref<1x32xf32, #tpu.memory_space<vmem>>, %arg8: memref<1x32xf32, #tpu.memory_space<vmem>>, %arg9: memref<1x1xf32, #tpu.memory_space<vmem>>, %arg10: memref<1x5120xf32, #tpu.memory_space<vmem>>, %arg11: memref<128x8xf32, #tpu.memory_space<vmem>>, %arg12: memref<128x5120xf32, #tpu.memory_space<vmem>>, %arg13: memref<2048x8xf32, #tpu.memory_space<vmem>>) attributes {dimension_semantics = [#tpu.dimension_semantics<arbitrary>], iteration_bounds = array<i64: 40>, scalar_prefetch = 0 : i64, scratch_operands = 2 : i64, tpu.core_type = #tpu.core_type<tc>, window_params = [{transform_indices = @transform_0, window_bounds = array<i64: 128, 8>}, {transform_indices = @transform_1, window_bounds = array<i64: 8, 128>}, {pipeline_mode = #tpu.pipeline_mode<synchronous>, transform_indices = @transform_2, window_bounds = array<i64: 8, 5120>}, {pipeline_mode = #tpu.pipeline_mode<synchronous>, transform_indices = @transform_3, window_bounds = array<i64: 1, 5120>}, {pipeline_mode = #tpu.pipeline_mode<synchronous>, transform_indices = @transform_4, window_bounds = array<i64: 5120, 8>}, {pipeline_mode = #tpu.pipeline_mode<synchronous>, transform_indices = @transform_5, window_bounds = array<i64: 8, 32>}, {pipeline_mode = #tpu.pipeline_mode<synchronous>, transform_indices = @transform_6, window_bounds = array<i64: 1, 32>}, {pipeline_mode = #tpu.pipeline_mode<synchronous>, transform_indices = @transform_7, window_bounds = array<i64: 1, 32>}, {pipeline_mode = #tpu.pipeline_mode<synchronous>, transform_indices = @transform_8, window_bounds = array<i64: 1, 1>}, {pipeline_mode = #tpu.pipeline_mode<synchronous>, transform_indices = @transform_9, window_bounds = array<i64: 1, 5120>}, {transform_indices = @transform_10, window_bounds = array<i64: 128, 8>}]} {
    %eq3A = arith.constant 0 : i32
    %eq3A_0 = arith.cmpi eq, %arg0, %eq3A : i32
    %convert_element_type3A = arith.extui %eq3A_0 : i1 to i32
    %cond3A = arith.constant 0 : i32
    %cond3A_1 = arith.cmpi ne, %convert_element_type3A, %cond3A : i32
    scf.if %cond3A_1 {
      %get3A_570 = arith.constant 0 : index
      %get3A_571 = arith.constant 0 : index
      %get3A_572 = vector.load %arg4[%get3A_570, %get3A_571] : memref<1x5120xf32, #tpu.memory_space<vmem>>, vector<1x5120xf32>
      %le3A_573 = arith.constant 2.000000e-01 : f32
      %le3A_574 = vector.broadcast %le3A_573 : f32 to vector<1x5120xf32>
      %le3A_575 = arith.cmpf ole, %get3A_572, %le3A_574 : vector<1x5120xf32>
      %convert_element_type3A_576 = arith.extui %le3A_575 : vector<1x5120xi1> to vector<1x5120xi32>
      %convert_element_type3A_577 = arith.sitofp %convert_element_type3A_576 : vector<1x5120xi32> to vector<1x5120xf32>
      %swap3A_578 = arith.constant 0 : index
      %swap3A_579 = arith.constant 0 : index
      %swap3A_580 = vector.load %arg10[%swap3A_578, %swap3A_579] : memref<1x5120xf32, #tpu.memory_space<vmem>>, vector<1x5120xf32>
      tpu.vector_store %arg10[%swap3A_578, %swap3A_579], %convert_element_type3A_577 {strides = array<i32>} : memref<1x5120xf32, #tpu.memory_space<vmem>>, vector<1x5120xf32>,
    } else {
    }
    %get3A = arith.constant 0 : index
    %get3A_2 = arith.constant 0 : index
    %get3A_3 = vector.load %arg1[%get3A, %get3A_2] : memref<128x8xf32, #tpu.memory_space<vmem>>, vector<128x8xf32>
    %slice3A = vector.extract_strided_slice %get3A_3 {offsets = [0, 0], sizes = [128, 1], strides = [1, 1]} : vector<128x8xf32> to vector<128x1xf32>
    %slice3A_4 = vector.extract_strided_slice %get3A_3 {offsets = [0, 1], sizes = [128, 1], strides = [1, 1]} : vector<128x8xf32> to vector<128x1xf32>
    %slice3A_5 = vector.extract_strided_slice %get3A_3 {offsets = [0, 3], sizes = [128, 1], strides = [1, 1]} : vector<128x8xf32> to vector<128x1xf32>
    %slice3A_6 = vector.extract_strided_slice %get3A_3 {offsets = [0, 4], sizes = [128, 1], strides = [1, 1]} : vector<128x8xf32> to vector<128x1xf32>
    %mul3A = arith.constant 5.000000e-01 : f32
    %mul3A_7 = vector.broadcast %mul3A : f32 to vector<128x1xf32>
    %mul3A_8 = arith.mulf %slice3A_5, %mul3A_7 : vector<128x1xf32>
    %sub3A = arith.subf %slice3A, %mul3A_8 : vector<128x1xf32>
    %mul3A_9 = arith.constant 5.000000e-01 : f32
    %mul3A_10 = vector.broadcast %mul3A_9 : f32 to vector<128x1xf32>
    %mul3A_11 = arith.mulf %slice3A_5, %mul3A_10 : vector<128x1xf32>
    %add3A = arith.addf %slice3A, %mul3A_11 : vector<128x1xf32>
    %mul3A_12 = arith.constant 5.000000e-01 : f32
    %mul3A_13 = vector.broadcast %mul3A_12 : f32 to vector<128x1xf32>
    %mul3A_14 = arith.mulf %slice3A_6, %mul3A_13 : vector<128x1xf32>
    %sub3A_15 = arith.subf %slice3A_4, %mul3A_14 : vector<128x1xf32>
    %mul3A_16 = arith.constant 5.000000e-01 : f32
    %mul3A_17 = vector.broadcast %mul3A_16 : f32 to vector<128x1xf32>
    %mul3A_18 = arith.mulf %slice3A_6, %mul3A_17 : vector<128x1xf32>
    %add3A_19 = arith.addf %slice3A_4, %mul3A_18 : vector<128x1xf32>
    %mul3A_20 = arith.mulf %slice3A_5, %slice3A_6 : vector<128x1xf32>
    %slice3A_21 = vector.extract_strided_slice %get3A_3 {offsets = [0, 7], sizes = [128, 1], strides = [1, 1]} : vector<128x8xf32> to vector<128x1xf32>
    %get3A_22 = arith.constant 0 : index
    %get3A_23 = arith.constant 0 : index
    %get3A_24 = vector.load %arg2[%get3A_22, %get3A_23] : memref<8x128xf32, #tpu.memory_space<vmem>>, vector<8x128xf32>
    %slice3A_25 = vector.extract_strided_slice %get3A_24 {offsets = [0, 0], sizes = [1, 128], strides = [1, 1]} : vector<8x128xf32> to vector<1x128xf32>
    %slice3A_26 = vector.extract_strided_slice %get3A_24 {offsets = [1, 0], sizes = [1, 128], strides = [1, 1]} : vector<8x128xf32> to vector<1x128xf32>
    %slice3A_27 = vector.extract_strided_slice %get3A_24 {offsets = [3, 0], sizes = [1, 128], strides = [1, 1]} : vector<8x128xf32> to vector<1x128xf32>
    %slice3A_28 = vector.extract_strided_slice %get3A_24 {offsets = [4, 0], sizes = [1, 128], strides = [1, 1]} : vector<8x128xf32> to vector<1x128xf32>
    %mul3A_29 = arith.constant 5.000000e-01 : f32
    %mul3A_30 = vector.broadcast %mul3A_29 : f32 to vector<1x128xf32>
    %mul3A_31 = arith.mulf %slice3A_27, %mul3A_30 : vector<1x128xf32>
    %sub3A_32 = arith.subf %slice3A_25, %mul3A_31 : vector<1x128xf32>
    %mul3A_33 = arith.constant 5.000000e-01 : f32
    %mul3A_34 = vector.broadcast %mul3A_33 : f32 to vector<1x128xf32>
    %mul3A_35 = arith.mulf %slice3A_27, %mul3A_34 : vector<1x128xf32>
    %add3A_36 = arith.addf %slice3A_25, %mul3A_35 : vector<1x128xf32>
    %mul3A_37 = arith.constant 5.000000e-01 : f32
    %mul3A_38 = vector.broadcast %mul3A_37 : f32 to vector<1x128xf32>
    %mul3A_39 = arith.mulf %slice3A_28, %mul3A_38 : vector<1x128xf32>
    %sub3A_40 = arith.subf %slice3A_26, %mul3A_39 : vector<1x128xf32>
    %mul3A_41 = arith.constant 5.000000e-01 : f32
    %mul3A_42 = vector.broadcast %mul3A_41 : f32 to vector<1x128xf32>
    %mul3A_43 = arith.mulf %slice3A_28, %mul3A_42 : vector<1x128xf32>
    %add3A_44 = arith.addf %slice3A_26, %mul3A_43 : vector<1x128xf32>
    %mul3A_45 = arith.mulf %slice3A_27, %slice3A_28 : vector<1x128xf32>
    %slice3A_46 = vector.extract_strided_slice %get3A_24 {offsets = [7, 0], sizes = [1, 128], strides = [1, 1]} : vector<8x128xf32> to vector<1x128xf32>
    %min3A = vector.broadcast %add3A : vector<128x1xf32> to vector<128x128xf32>
    %min3A_47 = vector.broadcast %add3A_36 : vector<1x128xf32> to vector<128x128xf32>
    %min3A_48 = arith.minimumf %min3A, %min3A_47 : vector<128x128xf32>
    %max3A = vector.broadcast %sub3A : vector<128x1xf32> to vector<128x128xf32>
    %max3A_49 = vector.broadcast %sub3A_32 : vector<1x128xf32> to vector<128x128xf32>
    %max3A_50 = arith.maximumf %max3A, %max3A_49 : vector<128x128xf32>
    %sub3A_51 = arith.subf %min3A_48, %max3A_50 : vector<128x128xf32>
    %max3A_52 = arith.constant 0.000000e+00 : f32
    %max3A_53 = vector.broadcast %max3A_52 : f32 to vector<128x128xf32>
    %max3A_54 = arith.maximumf %max3A_53, %sub3A_51 : vector<128x128xf32>
    %min3A_55 = vector.broadcast %add3A_19 : vector<128x1xf32> to vector<128x128xf32>
    %min3A_56 = vector.broadcast %add3A_44 : vector<1x128xf32> to vector<128x128xf32>
    %min3A_57 = arith.minimumf %min3A_55, %min3A_56 : vector<128x128xf32>
    %max3A_58 = vector.broadcast %sub3A_15 : vector<128x1xf32> to vector<128x128xf32>
    %max3A_59 = vector.broadcast %sub3A_40 : vector<1x128xf32> to vector<128x128xf32>
    %max3A_60 = arith.maximumf %max3A_58, %max3A_59 : vector<128x128xf32>
    %sub3A_61 = arith.subf %min3A_57, %max3A_60 : vector<128x128xf32>
    %max3A_62 = arith.constant 0.000000e+00 : f32
    %max3A_63 = vector.broadcast %max3A_62 : f32 to vector<128x128xf32>
    %max3A_64 = arith.maximumf %max3A_63, %sub3A_61 : vector<128x128xf32>
    %mul3A_65 = arith.mulf %max3A_54, %max3A_64 : vector<128x128xf32>
    %add3A_66 = vector.broadcast %mul3A_20 : vector<128x1xf32> to vector<128x128xf32>
    %add3A_67 = vector.broadcast %mul3A_45 : vector<1x128xf32> to vector<128x128xf32>
    %add3A_68 = arith.addf %add3A_66, %add3A_67 : vector<128x128xf32>
    %sub3A_69 = arith.subf %add3A_68, %mul3A_65 : vector<128x128xf32>
    %max3A_70 = arith.constant 9.99999997E-7 : f32
    %max3A_71 = vector.broadcast %max3A_70 : f32 to vector<128x128xf32>
    %max3A_72 = arith.maximumf %sub3A_69, %max3A_71 : vector<128x128xf32>
    %div3A = arith.divf %mul3A_65, %max3A_72 : vector<128x128xf32>
    %eq3A_73 = vector.broadcast %slice3A_21 : vector<128x1xf32> to vector<128x128xf32>
    %eq3A_74 = vector.broadcast %slice3A_46 : vector<1x128xf32> to vector<128x128xf32>
    %eq3A_75 = arith.cmpf oeq, %eq3A_73, %eq3A_74 : vector<128x128xf32>
    %gt3A = arith.constant 3.000000e-01 : f32
    %gt3A_76 = vector.broadcast %gt3A : f32 to vector<128x128xf32>
    %gt3A_77 = arith.cmpf ogt, %div3A, %gt3A_76 : vector<128x128xf32>
    %and3A = arith.andi %gt3A_77, %eq3A_75 : vector<128x128xi1>
    %iota3A = tpu.iota {dimensions = array<i32: 1>} : vector<1x5120xi32>
    %iota3A_78 = tpu.iota {dimensions = array<i32: 1>} : vector<128x128xi32>
    %iota3A_79 = tpu.iota {dimensions = array<i32: 0>} : vector<128x128xi32>
    %get3A_80 = arith.constant 0 : index
    %get3A_81 = arith.constant 0 : index
    %get3A_82 = vector.load %arg10[%get3A_80, %get3A_81] : memref<1x5120xf32, #tpu.memory_space<vmem>>, vector<1x5120xf32>
    %mul3A_83 = arith.constant 128 : i32
    %mul3A_84 = arith.muli %arg0, %mul3A_83 : i32
    %multiple_of3A = tpu.assume_multiple %mul3A_84, 128 : i32
    %get3A_85 = arith.constant 0 : index
    %get3A_86 = arith.index_cast %multiple_of3A : i32 to index
    %get3A_87 = vector.load %arg10[%get3A_85, %get3A_86] : memref<1x5120xf32, #tpu.memory_space<vmem>>, vector<1x128xf32>
    %transpose3A = tpu.transpose %get3A_87, [1, 0] : vector<1x128xf32> -> vector<128x1xf32>
    %eq3A_88 = arith.constant 0.000000e+00 : f32
    %eq3A_89 = vector.broadcast %eq3A_88 : f32 to vector<128x1xf32>
    %eq3A_90 = arith.cmpf oeq, %transpose3A, %eq3A_89 : vector<128x1xf32>
    %convert_element_type3A_91 = arith.extui %and3A : vector<128x128xi1> to vector<128x128xi32>
    %convert_element_type3A_92 = arith.sitofp %convert_element_type3A_91 : vector<128x128xi32> to vector<128x128xf32>
    %lt3A = arith.cmpi slt, %iota3A_78, %iota3A_79 : vector<128x128xi32>
    %convert_element_type3A_93 = arith.extui %lt3A : vector<128x128xi1> to vector<128x128xi32>
    %convert_element_type3A_94 = arith.sitofp %convert_element_type3A_93 : vector<128x128xi32> to vector<128x128xf32>
    %mul3A_95 = arith.mulf %convert_element_type3A_92, %convert_element_type3A_94 : vector<128x128xf32>
    %convert_element_type3A_96 = arith.extui %eq3A_90 : vector<128x1xi1> to vector<128x1xi32>
    %convert_element_type3A_97 = arith.sitofp %convert_element_type3A_96 : vector<128x1xi32> to vector<128x1xf32>
    %transpose3A_98 = tpu.transpose %convert_element_type3A_97, [1, 0] : vector<128x1xf32> -> vector<1x128xf32>
    %sub3A_99 = arith.constant 2.000000e+00 : f32
    %sub3A_100 = vector.broadcast %sub3A_99 : f32 to vector<1x128xf32>
    %sub3A_101 = arith.subf %transpose3A_98, %sub3A_100 : vector<1x128xf32>
    %while3A:2 = scf.while (%while3A_570 = %transpose3A_98, %while3A_571 = %sub3A_101) : (vector<1x128xf32>, vector<1x128xf32>) -> (vector<1x128xf32>, vector<1x128xf32>) {
      %ne3A = arith.cmpf one, %while3A_570, %while3A_571 : vector<1x128xf32>
      %reduce_or3A = arith.constant 1.000000e+00 : f32
      %reduce_or3A_572 = arith.constant 0.000000e+00 : f32
      %reduce_or3A_573 = vector.broadcast %reduce_or3A : f32 to vector<1x128xf32>
      %reduce_or3A_574 = vector.broadcast %reduce_or3A_572 : f32 to vector<1x128xf32>
      %reduce_or3A_575 = arith.select %ne3A, %reduce_or3A_573, %reduce_or3A_574 : vector<1x128xi1>, vector<1x128xf32>
      %reduce_or3A_576 = vector.shape_cast %reduce_or3A_575 : vector<1x128xf32> to vector<1x1x128xf32>
      %reduce_or3A_577 = arith.constant dense<0xFF800000> : vector<1xf32>
      %reduce_or3A_578 = vector.multi_reduction <maximumf>, %reduce_or3A_576, %reduce_or3A_577 [1, 2] : vector<1x1x128xf32> to vector<1xf32>
      %reduce_or3A_579 = vector.shape_cast %reduce_or3A_578 : vector<1xf32> to vector<1x1x1xf32>
      %reduce_or3A_580 = vector.extract %reduce_or3A_579[0, 0, 0] : f32 from vector<1x1x1xf32>
      %reduce_or3A_581 = arith.constant 0.000000e+00 : f32
      %reduce_or3A_582 = arith.cmpf ogt, %reduce_or3A_580, %reduce_or3A_581 : f32
      scf.condition(%reduce_or3A_582) %while3A_570, %while3A_571 : vector<1x128xf32>, vector<1x128xf32>
    } do {
    ^bb0(%while3A_570: vector<1x128xf32>, %while3A_571: vector<1x128xf32>):
      %mul3A_572 = vector.broadcast %while3A_570 : vector<1x128xf32> to vector<128x128xf32>
      %mul3A_573 = arith.mulf %mul3A_95, %mul3A_572 : vector<128x128xf32>
      %reduce_sum3A_574 = arith.constant dense<0.000000e+00> : vector<128xf32>
      %reduce_sum3A_575 = vector.multi_reduction <add>, %mul3A_573, %reduce_sum3A_574 [1] : vector<128x128xf32> to vector<128xf32>
      %broadcast_in_dim3A_576 = vector.shape_cast %reduce_sum3A_575 : vector<128xf32> to vector<128x1xf32>
      %eq3A_577 = arith.constant 0.000000e+00 : f32
      %eq3A_578 = vector.broadcast %eq3A_577 : f32 to vector<128x1xf32>
      %eq3A_579 = arith.cmpf oeq, %broadcast_in_dim3A_576, %eq3A_578 : vector<128x1xf32>
      %and3A_580 = arith.andi %eq3A_90, %eq3A_579 : vector<128x1xi1>
      %convert_element_type3A_581 = arith.extui %and3A_580 : vector<128x1xi1> to vector<128x1xi32>
      %convert_element_type3A_582 = arith.sitofp %convert_element_type3A_581 : vector<128x1xi32> to vector<128x1xf32>
      %transpose3A_583 = tpu.transpose %convert_element_type3A_582, [1, 0] : vector<128x1xf32> -> vector<1x128xf32>
      scf.yield %transpose3A_583, %while3A_570 : vector<1x128xf32>, vector<1x128xf32>
    }
    %transpose3A_102 = tpu.transpose %while3A#0, [1, 0] : vector<1x128xf32> -> vector<128x1xf32>
    %sub3A_103 = arith.constant 1.000000e+00 : f32
    %sub3A_104 = vector.broadcast %sub3A_103 : f32 to vector<128x1xf32>
    %sub3A_105 = arith.subf %sub3A_104, %transpose3A_102 : vector<128x1xf32>
    %get3A_106 = arith.constant 0 : index
    %get3A_107 = arith.constant 0 : index
    %get3A_108 = vector.load %arg3[%get3A_106, %get3A_107] : memref<8x5120xf32, #tpu.memory_space<vmem>>, vector<8x5120xf32>
    %slice3A_109 = vector.extract_strided_slice %get3A_108 {offsets = [0, 0], sizes = [1, 5120], strides = [1, 1]} : vector<8x5120xf32> to vector<1x5120xf32>
    %slice3A_110 = vector.extract_strided_slice %get3A_108 {offsets = [1, 0], sizes = [1, 5120], strides = [1, 1]} : vector<8x5120xf32> to vector<1x5120xf32>
    %slice3A_111 = vector.extract_strided_slice %get3A_108 {offsets = [3, 0], sizes = [1, 5120], strides = [1, 1]} : vector<8x5120xf32> to vector<1x5120xf32>
    %slice3A_112 = vector.extract_strided_slice %get3A_108 {offsets = [4, 0], sizes = [1, 5120], strides = [1, 1]} : vector<8x5120xf32> to vector<1x5120xf32>
    %mul3A_113 = arith.constant 5.000000e-01 : f32
    %mul3A_114 = vector.broadcast %mul3A_113 : f32 to vector<1x5120xf32>
    %mul3A_115 = arith.mulf %slice3A_111, %mul3A_114 : vector<1x5120xf32>
    %sub3A_116 = arith.subf %slice3A_109, %mul3A_115 : vector<1x5120xf32>
    %mul3A_117 = arith.constant 5.000000e-01 : f32
    %mul3A_118 = vector.broadcast %mul3A_117 : f32 to vector<1x5120xf32>
    %mul3A_119 = arith.mulf %slice3A_111, %mul3A_118 : vector<1x5120xf32>
    %add3A_120 = arith.addf %slice3A_109, %mul3A_119 : vector<1x5120xf32>
    %mul3A_121 = arith.constant 5.000000e-01 : f32
    %mul3A_122 = vector.broadcast %mul3A_121 : f32 to vector<1x5120xf32>
    %mul3A_123 = arith.mulf %slice3A_112, %mul3A_122 : vector<1x5120xf32>
    %sub3A_124 = arith.subf %slice3A_110, %mul3A_123 : vector<1x5120xf32>
    %mul3A_125 = arith.constant 5.000000e-01 : f32
    %mul3A_126 = vector.broadcast %mul3A_125 : f32 to vector<1x5120xf32>
    %mul3A_127 = arith.mulf %slice3A_112, %mul3A_126 : vector<1x5120xf32>
    %add3A_128 = arith.addf %slice3A_110, %mul3A_127 : vector<1x5120xf32>
    %mul3A_129 = arith.mulf %slice3A_111, %slice3A_112 : vector<1x5120xf32>
    %slice3A_130 = vector.extract_strided_slice %get3A_108 {offsets = [7, 0], sizes = [1, 5120], strides = [1, 1]} : vector<8x5120xf32> to vector<1x5120xf32>
    %min3A_131 = vector.broadcast %add3A : vector<128x1xf32> to vector<128x5120xf32>
    %min3A_132 = vector.broadcast %add3A_120 : vector<1x5120xf32> to vector<128x5120xf32>
    %min3A_133 = arith.minimumf %min3A_131, %min3A_132 : vector<128x5120xf32>
    %max3A_134 = vector.broadcast %sub3A : vector<128x1xf32> to vector<128x5120xf32>
    %max3A_135 = vector.broadcast %sub3A_116 : vector<1x5120xf32> to vector<128x5120xf32>
    %max3A_136 = arith.maximumf %max3A_134, %max3A_135 : vector<128x5120xf32>
    %sub3A_137 = arith.subf %min3A_133, %max3A_136 : vector<128x5120xf32>
    %max3A_138 = arith.constant 0.000000e+00 : f32
    %max3A_139 = vector.broadcast %max3A_138 : f32 to vector<128x5120xf32>
    %max3A_140 = arith.maximumf %max3A_139, %sub3A_137 : vector<128x5120xf32>
    %min3A_141 = vector.broadcast %add3A_19 : vector<128x1xf32> to vector<128x5120xf32>
    %min3A_142 = vector.broadcast %add3A_128 : vector<1x5120xf32> to vector<128x5120xf32>
    %min3A_143 = arith.minimumf %min3A_141, %min3A_142 : vector<128x5120xf32>
    %max3A_144 = vector.broadcast %sub3A_15 : vector<128x1xf32> to vector<128x5120xf32>
    %max3A_145 = vector.broadcast %sub3A_124 : vector<1x5120xf32> to vector<128x5120xf32>
    %max3A_146 = arith.maximumf %max3A_144, %max3A_145 : vector<128x5120xf32>
    %sub3A_147 = arith.subf %min3A_143, %max3A_146 : vector<128x5120xf32>
    %max3A_148 = arith.constant 0.000000e+00 : f32
    %max3A_149 = vector.broadcast %max3A_148 : f32 to vector<128x5120xf32>
    %max3A_150 = arith.maximumf %max3A_149, %sub3A_147 : vector<128x5120xf32>
    %mul3A_151 = arith.mulf %max3A_140, %max3A_150 : vector<128x5120xf32>
    %add3A_152 = vector.broadcast %mul3A_20 : vector<128x1xf32> to vector<128x5120xf32>
    %add3A_153 = vector.broadcast %mul3A_129 : vector<1x5120xf32> to vector<128x5120xf32>
    %add3A_154 = arith.addf %add3A_152, %add3A_153 : vector<128x5120xf32>
    %sub3A_155 = arith.subf %add3A_154, %mul3A_151 : vector<128x5120xf32>
    %max3A_156 = arith.constant 9.99999997E-7 : f32
    %max3A_157 = vector.broadcast %max3A_156 : f32 to vector<128x5120xf32>
    %max3A_158 = arith.maximumf %sub3A_155, %max3A_157 : vector<128x5120xf32>
    %div3A_159 = arith.divf %mul3A_151, %max3A_158 : vector<128x5120xf32>
    %eq3A_160 = vector.broadcast %slice3A_21 : vector<128x1xf32> to vector<128x5120xf32>
    %eq3A_161 = vector.broadcast %slice3A_130 : vector<1x5120xf32> to vector<128x5120xf32>
    %eq3A_162 = arith.cmpf oeq, %eq3A_160, %eq3A_161 : vector<128x5120xf32>
    %gt3A_163 = arith.constant 3.000000e-01 : f32
    %gt3A_164 = vector.broadcast %gt3A_163 : f32 to vector<128x5120xf32>
    %gt3A_165 = arith.cmpf ogt, %div3A_159, %gt3A_164 : vector<128x5120xf32>
    %and3A_166 = arith.andi %gt3A_165, %eq3A_162 : vector<128x5120xi1>
    %convert_element_type3A_167 = arith.extui %and3A_166 : vector<128x5120xi1> to vector<128x5120xi32>
    %convert_element_type3A_168 = arith.sitofp %convert_element_type3A_167 : vector<128x5120xi32> to vector<128x5120xf32>
    %mul3A_169 = vector.broadcast %transpose3A_102 : vector<128x1xf32> to vector<128x5120xf32>
    %mul3A_170 = arith.mulf %convert_element_type3A_168, %mul3A_169 : vector<128x5120xf32>
    %reduce_sum3A = arith.constant dense<0.000000e+00> : vector<5120xf32>
    %reduce_sum3A_171 = vector.multi_reduction <add>, %mul3A_170, %reduce_sum3A [0] : vector<128x5120xf32> to vector<5120xf32>
    %broadcast_in_dim3A = vector.shape_cast %reduce_sum3A_171 : vector<5120xf32> to vector<1x5120xf32>
    %gt3A_172 = arith.constant 0.000000e+00 : f32
    %gt3A_173 = vector.broadcast %gt3A_172 : f32 to vector<1x5120xf32>
    %gt3A_174 = arith.cmpf ogt, %broadcast_in_dim3A, %gt3A_173 : vector<1x5120xf32>
    %convert_element_type3A_175 = arith.extui %gt3A_174 : vector<1x5120xi1> to vector<1x5120xi32>
    %convert_element_type3A_176 = arith.sitofp %convert_element_type3A_175 : vector<1x5120xi32> to vector<1x5120xf32>
    %add3A_177 = arith.constant 1 : i32
    %add3A_178 = arith.addi %arg0, %add3A_177 : i32
    %mul3A_179 = arith.constant 128 : i32
    %mul3A_180 = arith.muli %add3A_178, %mul3A_179 : i32
    %ge3A = vector.broadcast %mul3A_180 : i32 to vector<1x5120xi32>
    %ge3A_181 = arith.cmpi sge, %iota3A, %ge3A : vector<1x5120xi32>
    %convert_element_type3A_182 = arith.extui %ge3A_181 : vector<1x5120xi1> to vector<1x5120xi32>
    %convert_element_type3A_183 = arith.sitofp %convert_element_type3A_182 : vector<1x5120xi32> to vector<1x5120xf32>
    %mul3A_184 = arith.mulf %convert_element_type3A_176, %convert_element_type3A_183 : vector<1x5120xf32>
    %max3A_185 = arith.maximumf %get3A_82, %mul3A_184 : vector<1x5120xf32>
    %swap3A = arith.constant 0 : index
    %swap3A_186 = arith.constant 0 : index
    %swap3A_187 = vector.load %arg10[%swap3A, %swap3A_186] : memref<1x5120xf32, #tpu.memory_space<vmem>>, vector<1x5120xf32>
    tpu.vector_store %arg10[%swap3A, %swap3A_186], %max3A_185 {strides = array<i32>} : memref<1x5120xf32, #tpu.memory_space<vmem>>, vector<1x5120xf32>,
    %transpose3A_188 = tpu.transpose %sub3A_105, [1, 0] : vector<128x1xf32> -> vector<1x128xf32>
    %swap3A_189 = arith.constant 0 : index
    %swap3A_190 = arith.index_cast %multiple_of3A : i32 to index
    %swap3A_191 = vector.load %arg10[%swap3A_189, %swap3A_190] : memref<1x5120xf32, #tpu.memory_space<vmem>>, vector<1x128xf32>
    tpu.vector_store %arg10[%swap3A_189, %swap3A_190], %transpose3A_188 {strides = array<i32>} : memref<1x5120xf32, #tpu.memory_space<vmem>>, vector<1x128xf32>,
    %jit3A = arith.constant -1.000000e+00 : f32
    %broadcast_in_dim3A_192 = vector.broadcast %jit3A : f32 to vector<128x5120xf32>
    %select_n3A = arith.select %and3A_166, %div3A_159, %broadcast_in_dim3A_192 : vector<128x5120xi1>, vector<128x5120xf32>
    %swap3A_193 = arith.constant 0 : index
    %swap3A_194 = arith.constant 0 : index
    %swap3A_195 = vector.load %arg12[%swap3A_193, %swap3A_194] : memref<128x5120xf32, #tpu.memory_space<vmem>>, vector<128x5120xf32>
    tpu.vector_store %arg12[%swap3A_193, %swap3A_194], %select_n3A {strides = array<i32>} : memref<128x5120xf32, #tpu.memory_space<vmem>>, vector<128x5120xf32>,
    %broadcast_in_dim3A_196 = arith.constant 0.000000e+00 : f32
    %broadcast_in_dim3A_197 = vector.broadcast %broadcast_in_dim3A_196 : f32 to vector<2048x8xf32>
    %swap3A_198 = arith.constant 0 : index
    %swap3A_199 = arith.constant 0 : index
    %swap3A_200 = vector.load %arg13[%swap3A_198, %swap3A_199] : memref<2048x8xf32, #tpu.memory_space<vmem>>, vector<2048x8xf32>
    tpu.vector_store %arg13[%swap3A_198, %swap3A_199], %broadcast_in_dim3A_197 {strides = array<i32>} : memref<2048x8xf32, #tpu.memory_space<vmem>>, vector<2048x8xf32>,
    %reduce_sum3A_201 = arith.constant dense<0.000000e+00> : vector<128xf32>
    %reduce_sum3A_202 = vector.multi_reduction <add>, %convert_element_type3A_168, %reduce_sum3A_201 [1] : vector<128x5120xf32> to vector<128xf32>
    %broadcast_in_dim3A_203 = vector.shape_cast %reduce_sum3A_202 : vector<128xf32> to vector<128x1xf32>
    %reduce_max3A = vector.shape_cast %broadcast_in_dim3A_203 : vector<128x1xf32> to vector<1x128x1xf32>
    %reduce_max3A_204 = arith.constant dense<0xFF800000> : vector<1xf32>
    %reduce_max3A_205 = vector.multi_reduction <maximumf>, %reduce_max3A, %reduce_max3A_204 [1, 2] : vector<1x128x1xf32> to vector<1xf32>
    %reduce_max3A_206 = vector.shape_cast %reduce_max3A_205 : vector<1xf32> to vector<1x1x1xf32>
    %reduce_max3A_207 = vector.extract %reduce_max3A_206[0, 0, 0] : f32 from vector<1x1x1xf32>
    %convert_element_type3A_208 = arith.fptosi %reduce_max3A_207 : f32 to i32
    %min3A_209 = arith.constant 16 : i32
    %min3A_210 = arith.minsi %min3A_209, %convert_element_type3A_208 : i32
    %get3A_211 = arith.constant 0 : index
    %get3A_212 = arith.constant 0 : index
    %get3A_213 = vector.load %arg5[%get3A_211, %get3A_212] : memref<5120x8xf32, #tpu.memory_space<vmem>>, vector<5120x8xf32>
    %while3A_214 = arith.constant 0 : i32
    %while3A_215 = arith.constant 0 : i32
    %while3A_216 = arith.subi %min3A_210, %while3A_214 : i32
    %while3A_217 = arith.addi %while3A_214, %while3A_216 : i32
    %while3A_218 = arith.constant 1 : i32
    %while3A_219 = arith.divsi %while3A_216, %while3A_218 : i32
    %while3A_220 = arith.muli %while3A_219, %while3A_218 : i32
    %while3A_221 = arith.addi %while3A_214, %while3A_220 : i32
    %while3A_222 = arith.constant 1 : i32
    %while3A_223 = scf.for %while3A_570 = %while3A_214 to %while3A_221 step %while3A_222 iter_args(%while3A_571 = %while3A_215) -> (i32)  : i32 {
      %get3A_572 = arith.constant 0 : index
      %get3A_573 = arith.constant 0 : index
      %get3A_574 = vector.load %arg12[%get3A_572, %get3A_573] : memref<128x5120xf32, #tpu.memory_space<vmem>>, vector<128x5120xf32>
      %reduce_max3A_575 = arith.constant dense<0xFF800000> : vector<128xf32>
      %reduce_max3A_576 = vector.multi_reduction <maximumf>, %get3A_574, %reduce_max3A_575 [1] : vector<128x5120xf32> to vector<128xf32>
      %broadcast_in_dim3A_577 = vector.shape_cast %reduce_max3A_576 : vector<128xf32> to vector<128x1xf32>
      %eq3A_578 = vector.broadcast %broadcast_in_dim3A_577 : vector<128x1xf32> to vector<128x5120xf32>
      %eq3A_579 = arith.cmpf oeq, %get3A_574, %eq3A_578 : vector<128x5120xf32>
      %jit3A_580 = arith.constant 1073741824 : i32
      %broadcast_in_dim3A_581 = vector.shape_cast %iota3A : vector<1x5120xi32> to vector<1x5120xi32>
      %broadcast_in_dim3A_582 = vector.broadcast %broadcast_in_dim3A_581 : vector<1x5120xi32> to vector<128x5120xi32>
      %broadcast_in_dim3A_583 = vector.broadcast %jit3A_580 : i32 to vector<128x5120xi32>
      %select_n3A_584 = arith.select %eq3A_579, %broadcast_in_dim3A_582, %broadcast_in_dim3A_583 : vector<128x5120xi1>, vector<128x5120xi32>
      %reduce_min3A = arith.constant dense<2147483647> : vector<128xi32>
      %reduce_min3A_585 = vector.multi_reduction <minsi>, %select_n3A_584, %reduce_min3A [1] : vector<128x5120xi32> to vector<128xi32>
      %broadcast_in_dim3A_586 = vector.shape_cast %reduce_min3A_585 : vector<128xi32> to vector<128x1xi32>
      %eq3A_587 = vector.broadcast %iota3A : vector<1x5120xi32> to vector<128x5120xi32>
      %eq3A_588 = vector.broadcast %broadcast_in_dim3A_586 : vector<128x1xi32> to vector<128x5120xi32>
      %eq3A_589 = arith.cmpi eq, %eq3A_587, %eq3A_588 : vector<128x5120xi32>
      %and3A_590 = arith.andi %eq3A_579, %eq3A_589 : vector<128x5120xi1>
      %jit3A_591 = arith.constant -2.000000e+00 : f32
      %broadcast_in_dim3A_592 = vector.broadcast %jit3A_591 : f32 to vector<128x5120xf32>
      %select_n3A_593 = arith.select %and3A_590, %broadcast_in_dim3A_592, %get3A_574 : vector<128x5120xi1>, vector<128x5120xf32>
      %swap3A_594 = arith.constant 0 : index
      %swap3A_595 = arith.constant 0 : index
      %swap3A_596 = vector.load %arg12[%swap3A_594, %swap3A_595] : memref<128x5120xf32, #tpu.memory_space<vmem>>, vector<128x5120xf32>
      tpu.vector_store %arg12[%swap3A_594, %swap3A_595], %select_n3A_593 {strides = array<i32>} : memref<128x5120xf32, #tpu.memory_space<vmem>>, vector<128x5120xf32>,
      %gt3A_597 = arith.constant 3.000000e-01 : f32
      %gt3A_598 = vector.broadcast %gt3A_597 : f32 to vector<128x1xf32>
      %gt3A_599 = arith.cmpf ogt, %broadcast_in_dim3A_577, %gt3A_598 : vector<128x1xf32>
      %and3A_600 = vector.broadcast %gt3A_599 : vector<128x1xi1> to vector<128x5120xi1>
      %and3A_601 = arith.andi %and3A_590, %and3A_600 : vector<128x5120xi1>
      %convert_element_type3A_602 = arith.extui %and3A_601 : vector<128x5120xi1> to vector<128x5120xi32>
      %convert_element_type3A_603 = arith.sitofp %convert_element_type3A_602 : vector<128x5120xi32> to vector<128x5120xf32>
      %dot_general3A_604 = arith.constant dense<0.000000e+00> : vector<128x8xf32>
      %dot_general3A_605 = tpu.matmul %convert_element_type3A_603, %get3A_213, %dot_general3A_604 {dimension_numbers = #tpu.dot_dimension_numbers<[1], [0], [0], [1], [0, 0, 1, 1], [], []>, transpose_lhs_hint = false} : vector<128x5120xf32>, vector<5120x8xf32>, vector<128x8xf32> -> vector<128x8xf32>
      %slice3A_606 = vector.extract_strided_slice %dot_general3A_605 {offsets = [0, 0], sizes = [128, 7], strides = [1, 1]} : vector<128x8xf32> to vector<128x7xf32>
      %concatenate3A_607 = tpu.concatenate %slice3A_606, %broadcast_in_dim3A_577 in 1 : vector<128x7xf32>, vector<128x1xf32> -> vector<128x8xf32>
      %mul3A_608 = arith.constant 128 : i32
      %mul3A_609 = arith.muli %while3A_570, %mul3A_608 : i32
      %swap3A_610 = arith.index_cast %mul3A_609 : i32 to index
      %swap3A_611 = arith.constant 0 : index
      %swap3A_612 = vector.load %arg13[%swap3A_610, %swap3A_611] : memref<2048x8xf32, #tpu.memory_space<vmem>>, vector<128x8xf32>
      tpu.vector_store %arg13[%swap3A_610, %swap3A_611], %concatenate3A_607 {strides = array<i32>} : memref<2048x8xf32, #tpu.memory_space<vmem>>, vector<128x8xf32>,
      %while3A_613 = arith.constant 0 : i32
      scf.yield %while3A_613 : i32
    }
    %while3A_224 = arith.constant 1 : i32
    %while3A_225 = scf.for %while3A_570 = %while3A_221 to %while3A_217 step %while3A_224 iter_args(%while3A_571 = %while3A_223) -> (i32)  : i32 {
      %get3A_572 = arith.constant 0 : index
      %get3A_573 = arith.constant 0 : index
      %get3A_574 = vector.load %arg12[%get3A_572, %get3A_573] : memref<128x5120xf32, #tpu.memory_space<vmem>>, vector<128x5120xf32>
      %reduce_max3A_575 = arith.constant dense<0xFF800000> : vector<128xf32>
      %reduce_max3A_576 = vector.multi_reduction <maximumf>, %get3A_574, %reduce_max3A_575 [1] : vector<128x5120xf32> to vector<128xf32>
      %broadcast_in_dim3A_577 = vector.shape_cast %reduce_max3A_576 : vector<128xf32> to vector<128x1xf32>
      %eq3A_578 = vector.broadcast %broadcast_in_dim3A_577 : vector<128x1xf32> to vector<128x5120xf32>
      %eq3A_579 = arith.cmpf oeq, %get3A_574, %eq3A_578 : vector<128x5120xf32>
      %jit3A_580 = arith.constant 1073741824 : i32
      %broadcast_in_dim3A_581 = vector.shape_cast %iota3A : vector<1x5120xi32> to vector<1x5120xi32>
      %broadcast_in_dim3A_582 = vector.broadcast %broadcast_in_dim3A_581 : vector<1x5120xi32> to vector<128x5120xi32>
      %broadcast_in_dim3A_583 = vector.broadcast %jit3A_580 : i32 to vector<128x5120xi32>
      %select_n3A_584 = arith.select %eq3A_579, %broadcast_in_dim3A_582, %broadcast_in_dim3A_583 : vector<128x5120xi1>, vector<128x5120xi32>
      %reduce_min3A = arith.constant dense<2147483647> : vector<128xi32>
      %reduce_min3A_585 = vector.multi_reduction <minsi>, %select_n3A_584, %reduce_min3A [1] : vector<128x5120xi32> to vector<128xi32>
      %broadcast_in_dim3A_586 = vector.shape_cast %reduce_min3A_585 : vector<128xi32> to vector<128x1xi32>
      %eq3A_587 = vector.broadcast %iota3A : vector<1x5120xi32> to vector<128x5120xi32>
      %eq3A_588 = vector.broadcast %broadcast_in_dim3A_586 : vector<128x1xi32> to vector<128x5120xi32>
      %eq3A_589 = arith.cmpi eq, %eq3A_587, %eq3A_588 : vector<128x5120xi32>
      %and3A_590 = arith.andi %eq3A_579, %eq3A_589 : vector<128x5120xi1>
      %jit3A_591 = arith.constant -2.000000e+00 : f32
      %broadcast_in_dim3A_592 = vector.broadcast %jit3A_591 : f32 to vector<128x5120xf32>
      %select_n3A_593 = arith.select %and3A_590, %broadcast_in_dim3A_592, %get3A_574 : vector<128x5120xi1>, vector<128x5120xf32>
      %swap3A_594 = arith.constant 0 : index
      %swap3A_595 = arith.constant 0 : index
      %swap3A_596 = vector.load %arg12[%swap3A_594, %swap3A_595] : memref<128x5120xf32, #tpu.memory_space<vmem>>, vector<128x5120xf32>
      tpu.vector_store %arg12[%swap3A_594, %swap3A_595], %select_n3A_593 {strides = array<i32>} : memref<128x5120xf32, #tpu.memory_space<vmem>>, vector<128x5120xf32>,
      %gt3A_597 = arith.constant 3.000000e-01 : f32
      %gt3A_598 = vector.broadcast %gt3A_597 : f32 to vector<128x1xf32>
      %gt3A_599 = arith.cmpf ogt, %broadcast_in_dim3A_577, %gt3A_598 : vector<128x1xf32>
      %and3A_600 = vector.broadcast %gt3A_599 : vector<128x1xi1> to vector<128x5120xi1>
      %and3A_601 = arith.andi %and3A_590, %and3A_600 : vector<128x5120xi1>
      %convert_element_type3A_602 = arith.extui %and3A_601 : vector<128x5120xi1> to vector<128x5120xi32>
      %convert_element_type3A_603 = arith.sitofp %convert_element_type3A_602 : vector<128x5120xi32> to vector<128x5120xf32>
      %dot_general3A_604 = arith.constant dense<0.000000e+00> : vector<128x8xf32>
      %dot_general3A_605 = tpu.matmul %convert_element_type3A_603, %get3A_213, %dot_general3A_604 {dimension_numbers = #tpu.dot_dimension_numbers<[1], [0], [0], [1], [0, 0, 1, 1], [], []>, transpose_lhs_hint = false} : vector<128x5120xf32>, vector<5120x8xf32>, vector<128x8xf32> -> vector<128x8xf32>
      %slice3A_606 = vector.extract_strided_slice %dot_general3A_605 {offsets = [0, 0], sizes = [128, 7], strides = [1, 1]} : vector<128x8xf32> to vector<128x7xf32>
      %concatenate3A_607 = tpu.concatenate %slice3A_606, %broadcast_in_dim3A_577 in 1 : vector<128x7xf32>, vector<128x1xf32> -> vector<128x8xf32>
      %mul3A_608 = arith.constant 128 : i32
      %mul3A_609 = arith.muli %while3A_570, %mul3A_608 : i32
      %swap3A_610 = arith.index_cast %mul3A_609 : i32 to index
      %swap3A_611 = arith.constant 0 : index
      %swap3A_612 = vector.load %arg13[%swap3A_610, %swap3A_611] : memref<2048x8xf32, #tpu.memory_space<vmem>>, vector<128x8xf32>
      tpu.vector_store %arg13[%swap3A_610, %swap3A_611], %concatenate3A_607 {strides = array<i32>} : memref<2048x8xf32, #tpu.memory_space<vmem>>, vector<128x8xf32>,
      %while3A_613 = arith.constant 0 : i32
      scf.yield %while3A_613 : i32
    }
    %get3A_226 = arith.constant 0 : index
    %get3A_227 = arith.constant 0 : index
    %get3A_228 = vector.load %arg13[%get3A_226, %get3A_227] : memref<2048x8xf32, #tpu.memory_space<vmem>>, vector<2048x8xf32>
    %get3A_229 = arith.constant 0 : index
    %get3A_230 = arith.constant 0 : index
    %get3A_231 = vector.load %arg6[%get3A_229, %get3A_230] : memref<8x32xf32, #tpu.memory_space<vmem>>, vector<8x32xf32>
    %dot_general3A = arith.constant dense<0.000000e+00> : vector<2048x32xf32>
    %dot_general3A_232 = tpu.matmul %get3A_228, %get3A_231, %dot_general3A {dimension_numbers = #tpu.dot_dimension_numbers<[1], [0], [0], [1], [0, 0, 1, 1], [], []>, transpose_lhs_hint = false} : vector<2048x8xf32>, vector<8x32xf32>, vector<2048x32xf32> -> vector<2048x32xf32>
    %get3A_233 = arith.constant 0 : index
    %get3A_234 = arith.constant 0 : index
    %get3A_235 = vector.load %arg7[%get3A_233, %get3A_234] : memref<1x32xf32, #tpu.memory_space<vmem>>, vector<1x32xf32>
    %add3A_236 = vector.broadcast %get3A_235 : vector<1x32xf32> to vector<2048x32xf32>
    %add3A_237 = arith.addf %dot_general3A_232, %add3A_236 : vector<2048x32xf32>
    %tanh3A = math.tanh %add3A_237 : vector<2048x32xf32>
    %get3A_238 = arith.constant 0 : index
    %get3A_239 = arith.constant 0 : index
    %get3A_240 = vector.load %arg8[%get3A_238, %get3A_239] : memref<1x32xf32, #tpu.memory_space<vmem>>, vector<1x32xf32>
    %mul3A_241 = vector.broadcast %get3A_240 : vector<1x32xf32> to vector<2048x32xf32>
    %mul3A_242 = arith.mulf %tanh3A, %mul3A_241 : vector<2048x32xf32>
    %reduce_sum3A_243 = arith.constant dense<0.000000e+00> : vector<2048xf32>
    %reduce_sum3A_244 = vector.multi_reduction <add>, %mul3A_242, %reduce_sum3A_243 [1] : vector<2048x32xf32> to vector<2048xf32>
    %broadcast_in_dim3A_245 = vector.shape_cast %reduce_sum3A_244 : vector<2048xf32> to vector<2048x1xf32>
    %get3A_246 = arith.constant 0 : index
    %get3A_247 = arith.constant 0 : index
    %get3A_248 = vector.load %arg9[%get3A_246, %get3A_247] : memref<1x1xf32, #tpu.memory_space<vmem>>, vector<1x1xf32>
    %add3A_249 = vector.broadcast %get3A_248 : vector<1x1xf32> to vector<2048x1xf32>
    %add3A_250 = arith.addf %broadcast_in_dim3A_245, %add3A_249 : vector<2048x1xf32>
    %slice3A_251 = vector.extract_strided_slice %get3A_228 {offsets = [0, 0], sizes = [128, 8], strides = [1, 1]} : vector<2048x8xf32> to vector<128x8xf32>
    %slice3A_252 = vector.extract_strided_slice %slice3A_251 {offsets = [0, 7], sizes = [128, 1], strides = [1, 1]} : vector<128x8xf32> to vector<128x1xf32>
    %gt3A_253 = arith.constant 3.000000e-01 : f32
    %gt3A_254 = vector.broadcast %gt3A_253 : f32 to vector<128x1xf32>
    %gt3A_255 = arith.cmpf ogt, %slice3A_252, %gt3A_254 : vector<128x1xf32>
    %jit3A_256 = arith.constant 0.000000e+00 : f32
    %broadcast_in_dim3A_257 = vector.shape_cast %gt3A_255 : vector<128x1xi1> to vector<128x1xi1>
    %broadcast_in_dim3A_258 = vector.broadcast %broadcast_in_dim3A_257 : vector<128x1xi1> to vector<128x8xi1>
    %broadcast_in_dim3A_259 = vector.broadcast %jit3A_256 : f32 to vector<128x8xf32>
    %select_n3A_260 = arith.select %broadcast_in_dim3A_258, %slice3A_251, %broadcast_in_dim3A_259 : vector<128x8xi1>, vector<128x8xf32>
    %slice3A_261 = vector.extract_strided_slice %add3A_250 {offsets = [0, 0], sizes = [128, 1], strides = [1, 1]} : vector<2048x1xf32> to vector<128x1xf32>
    %jit3A_262 = arith.constant -1.000000e+09 : f32
    %broadcast_in_dim3A_263 = vector.broadcast %jit3A_262 : f32 to vector<128x1xf32>
    %select_n3A_264 = arith.select %gt3A_255, %slice3A_261, %broadcast_in_dim3A_263 : vector<128x1xi1>, vector<128x1xf32>
    %slice3A_265 = vector.extract_strided_slice %get3A_228 {offsets = [128, 0], sizes = [128, 8], strides = [1, 1]} : vector<2048x8xf32> to vector<128x8xf32>
    %slice3A_266 = vector.extract_strided_slice %slice3A_265 {offsets = [0, 7], sizes = [128, 1], strides = [1, 1]} : vector<128x8xf32> to vector<128x1xf32>
    %gt3A_267 = arith.constant 3.000000e-01 : f32
    %gt3A_268 = vector.broadcast %gt3A_267 : f32 to vector<128x1xf32>
    %gt3A_269 = arith.cmpf ogt, %slice3A_266, %gt3A_268 : vector<128x1xf32>
    %jit3A_270 = arith.constant 0.000000e+00 : f32
    %broadcast_in_dim3A_271 = vector.shape_cast %gt3A_269 : vector<128x1xi1> to vector<128x1xi1>
    %broadcast_in_dim3A_272 = vector.broadcast %broadcast_in_dim3A_271 : vector<128x1xi1> to vector<128x8xi1>
    %broadcast_in_dim3A_273 = vector.broadcast %jit3A_270 : f32 to vector<128x8xf32>
    %select_n3A_274 = arith.select %broadcast_in_dim3A_272, %slice3A_265, %broadcast_in_dim3A_273 : vector<128x8xi1>, vector<128x8xf32>
    %slice3A_275 = vector.extract_strided_slice %add3A_250 {offsets = [128, 0], sizes = [128, 1], strides = [1, 1]} : vector<2048x1xf32> to vector<128x1xf32>
    %jit3A_276 = arith.constant -1.000000e+09 : f32
    %broadcast_in_dim3A_277 = vector.broadcast %jit3A_276 : f32 to vector<128x1xf32>
    %select_n3A_278 = arith.select %gt3A_269, %slice3A_275, %broadcast_in_dim3A_277 : vector<128x1xi1>, vector<128x1xf32>
    %slice3A_279 = vector.extract_strided_slice %get3A_228 {offsets = [256, 0], sizes = [128, 8], strides = [1, 1]} : vector<2048x8xf32> to vector<128x8xf32>
    %slice3A_280 = vector.extract_strided_slice %slice3A_279 {offsets = [0, 7], sizes = [128, 1], strides = [1, 1]} : vector<128x8xf32> to vector<128x1xf32>
    %gt3A_281 = arith.constant 3.000000e-01 : f32
    %gt3A_282 = vector.broadcast %gt3A_281 : f32 to vector<128x1xf32>
    %gt3A_283 = arith.cmpf ogt, %slice3A_280, %gt3A_282 : vector<128x1xf32>
    %jit3A_284 = arith.constant 0.000000e+00 : f32
    %broadcast_in_dim3A_285 = vector.shape_cast %gt3A_283 : vector<128x1xi1> to vector<128x1xi1>
    %broadcast_in_dim3A_286 = vector.broadcast %broadcast_in_dim3A_285 : vector<128x1xi1> to vector<128x8xi1>
    %broadcast_in_dim3A_287 = vector.broadcast %jit3A_284 : f32 to vector<128x8xf32>
    %select_n3A_288 = arith.select %broadcast_in_dim3A_286, %slice3A_279, %broadcast_in_dim3A_287 : vector<128x8xi1>, vector<128x8xf32>
    %slice3A_289 = vector.extract_strided_slice %add3A_250 {offsets = [256, 0], sizes = [128, 1], strides = [1, 1]} : vector<2048x1xf32> to vector<128x1xf32>
    %jit3A_290 = arith.constant -1.000000e+09 : f32
    %broadcast_in_dim3A_291 = vector.broadcast %jit3A_290 : f32 to vector<128x1xf32>
    %select_n3A_292 = arith.select %gt3A_283, %slice3A_289, %broadcast_in_dim3A_291 : vector<128x1xi1>, vector<128x1xf32>
    %slice3A_293 = vector.extract_strided_slice %get3A_228 {offsets = [384, 0], sizes = [128, 8], strides = [1, 1]} : vector<2048x8xf32> to vector<128x8xf32>
    %slice3A_294 = vector.extract_strided_slice %slice3A_293 {offsets = [0, 7], sizes = [128, 1], strides = [1, 1]} : vector<128x8xf32> to vector<128x1xf32>
    %gt3A_295 = arith.constant 3.000000e-01 : f32
    %gt3A_296 = vector.broadcast %gt3A_295 : f32 to vector<128x1xf32>
    %gt3A_297 = arith.cmpf ogt, %slice3A_294, %gt3A_296 : vector<128x1xf32>
    %jit3A_298 = arith.constant 0.000000e+00 : f32
    %broadcast_in_dim3A_299 = vector.shape_cast %gt3A_297 : vector<128x1xi1> to vector<128x1xi1>
    %broadcast_in_dim3A_300 = vector.broadcast %broadcast_in_dim3A_299 : vector<128x1xi1> to vector<128x8xi1>
    %broadcast_in_dim3A_301 = vector.broadcast %jit3A_298 : f32 to vector<128x8xf32>
    %select_n3A_302 = arith.select %broadcast_in_dim3A_300, %slice3A_293, %broadcast_in_dim3A_301 : vector<128x8xi1>, vector<128x8xf32>
    %slice3A_303 = vector.extract_strided_slice %add3A_250 {offsets = [384, 0], sizes = [128, 1], strides = [1, 1]} : vector<2048x1xf32> to vector<128x1xf32>
    %jit3A_304 = arith.constant -1.000000e+09 : f32
    %broadcast_in_dim3A_305 = vector.broadcast %jit3A_304 : f32 to vector<128x1xf32>
    %select_n3A_306 = arith.select %gt3A_297, %slice3A_303, %broadcast_in_dim3A_305 : vector<128x1xi1>, vector<128x1xf32>
    %slice3A_307 = vector.extract_strided_slice %get3A_228 {offsets = [512, 0], sizes = [128, 8], strides = [1, 1]} : vector<2048x8xf32> to vector<128x8xf32>
    %slice3A_308 = vector.extract_strided_slice %slice3A_307 {offsets = [0, 7], sizes = [128, 1], strides = [1, 1]} : vector<128x8xf32> to vector<128x1xf32>
    %gt3A_309 = arith.constant 3.000000e-01 : f32
    %gt3A_310 = vector.broadcast %gt3A_309 : f32 to vector<128x1xf32>
    %gt3A_311 = arith.cmpf ogt, %slice3A_308, %gt3A_310 : vector<128x1xf32>
    %jit3A_312 = arith.constant 0.000000e+00 : f32
    %broadcast_in_dim3A_313 = vector.shape_cast %gt3A_311 : vector<128x1xi1> to vector<128x1xi1>
    %broadcast_in_dim3A_314 = vector.broadcast %broadcast_in_dim3A_313 : vector<128x1xi1> to vector<128x8xi1>
    %broadcast_in_dim3A_315 = vector.broadcast %jit3A_312 : f32 to vector<128x8xf32>
    %select_n3A_316 = arith.select %broadcast_in_dim3A_314, %slice3A_307, %broadcast_in_dim3A_315 : vector<128x8xi1>, vector<128x8xf32>
    %slice3A_317 = vector.extract_strided_slice %add3A_250 {offsets = [512, 0], sizes = [128, 1], strides = [1, 1]} : vector<2048x1xf32> to vector<128x1xf32>
    %jit3A_318 = arith.constant -1.000000e+09 : f32
    %broadcast_in_dim3A_319 = vector.broadcast %jit3A_318 : f32 to vector<128x1xf32>
    %select_n3A_320 = arith.select %gt3A_311, %slice3A_317, %broadcast_in_dim3A_319 : vector<128x1xi1>, vector<128x1xf32>
    %slice3A_321 = vector.extract_strided_slice %get3A_228 {offsets = [640, 0], sizes = [128, 8], strides = [1, 1]} : vector<2048x8xf32> to vector<128x8xf32>
    %slice3A_322 = vector.extract_strided_slice %slice3A_321 {offsets = [0, 7], sizes = [128, 1], strides = [1, 1]} : vector<128x8xf32> to vector<128x1xf32>
    %gt3A_323 = arith.constant 3.000000e-01 : f32
    %gt3A_324 = vector.broadcast %gt3A_323 : f32 to vector<128x1xf32>
    %gt3A_325 = arith.cmpf ogt, %slice3A_322, %gt3A_324 : vector<128x1xf32>
    %jit3A_326 = arith.constant 0.000000e+00 : f32
    %broadcast_in_dim3A_327 = vector.shape_cast %gt3A_325 : vector<128x1xi1> to vector<128x1xi1>
    %broadcast_in_dim3A_328 = vector.broadcast %broadcast_in_dim3A_327 : vector<128x1xi1> to vector<128x8xi1>
    %broadcast_in_dim3A_329 = vector.broadcast %jit3A_326 : f32 to vector<128x8xf32>
    %select_n3A_330 = arith.select %broadcast_in_dim3A_328, %slice3A_321, %broadcast_in_dim3A_329 : vector<128x8xi1>, vector<128x8xf32>
    %slice3A_331 = vector.extract_strided_slice %add3A_250 {offsets = [640, 0], sizes = [128, 1], strides = [1, 1]} : vector<2048x1xf32> to vector<128x1xf32>
    %jit3A_332 = arith.constant -1.000000e+09 : f32
    %broadcast_in_dim3A_333 = vector.broadcast %jit3A_332 : f32 to vector<128x1xf32>
    %select_n3A_334 = arith.select %gt3A_325, %slice3A_331, %broadcast_in_dim3A_333 : vector<128x1xi1>, vector<128x1xf32>
    %slice3A_335 = vector.extract_strided_slice %get3A_228 {offsets = [768, 0], sizes = [128, 8], strides = [1, 1]} : vector<2048x8xf32> to vector<128x8xf32>
    %slice3A_336 = vector.extract_strided_slice %slice3A_335 {offsets = [0, 7], sizes = [128, 1], strides = [1, 1]} : vector<128x8xf32> to vector<128x1xf32>
    %gt3A_337 = arith.constant 3.000000e-01 : f32
    %gt3A_338 = vector.broadcast %gt3A_337 : f32 to vector<128x1xf32>
    %gt3A_339 = arith.cmpf ogt, %slice3A_336, %gt3A_338 : vector<128x1xf32>
    %jit3A_340 = arith.constant 0.000000e+00 : f32
    %broadcast_in_dim3A_341 = vector.shape_cast %gt3A_339 : vector<128x1xi1> to vector<128x1xi1>
    %broadcast_in_dim3A_342 = vector.broadcast %broadcast_in_dim3A_341 : vector<128x1xi1> to vector<128x8xi1>
    %broadcast_in_dim3A_343 = vector.broadcast %jit3A_340 : f32 to vector<128x8xf32>
    %select_n3A_344 = arith.select %broadcast_in_dim3A_342, %slice3A_335, %broadcast_in_dim3A_343 : vector<128x8xi1>, vector<128x8xf32>
    %slice3A_345 = vector.extract_strided_slice %add3A_250 {offsets = [768, 0], sizes = [128, 1], strides = [1, 1]} : vector<2048x1xf32> to vector<128x1xf32>
    %jit3A_346 = arith.constant -1.000000e+09 : f32
    %broadcast_in_dim3A_347 = vector.broadcast %jit3A_346 : f32 to vector<128x1xf32>
    %select_n3A_348 = arith.select %gt3A_339, %slice3A_345, %broadcast_in_dim3A_347 : vector<128x1xi1>, vector<128x1xf32>
    %slice3A_349 = vector.extract_strided_slice %get3A_228 {offsets = [896, 0], sizes = [128, 8], strides = [1, 1]} : vector<2048x8xf32> to vector<128x8xf32>
    %slice3A_350 = vector.extract_strided_slice %slice3A_349 {offsets = [0, 7], sizes = [128, 1], strides = [1, 1]} : vector<128x8xf32> to vector<128x1xf32>
    %gt3A_351 = arith.constant 3.000000e-01 : f32
    %gt3A_352 = vector.broadcast %gt3A_351 : f32 to vector<128x1xf32>
    %gt3A_353 = arith.cmpf ogt, %slice3A_350, %gt3A_352 : vector<128x1xf32>
    %jit3A_354 = arith.constant 0.000000e+00 : f32
    %broadcast_in_dim3A_355 = vector.shape_cast %gt3A_353 : vector<128x1xi1> to vector<128x1xi1>
    %broadcast_in_dim3A_356 = vector.broadcast %broadcast_in_dim3A_355 : vector<128x1xi1> to vector<128x8xi1>
    %broadcast_in_dim3A_357 = vector.broadcast %jit3A_354 : f32 to vector<128x8xf32>
    %select_n3A_358 = arith.select %broadcast_in_dim3A_356, %slice3A_349, %broadcast_in_dim3A_357 : vector<128x8xi1>, vector<128x8xf32>
    %slice3A_359 = vector.extract_strided_slice %add3A_250 {offsets = [896, 0], sizes = [128, 1], strides = [1, 1]} : vector<2048x1xf32> to vector<128x1xf32>
    %jit3A_360 = arith.constant -1.000000e+09 : f32
    %broadcast_in_dim3A_361 = vector.broadcast %jit3A_360 : f32 to vector<128x1xf32>
    %select_n3A_362 = arith.select %gt3A_353, %slice3A_359, %broadcast_in_dim3A_361 : vector<128x1xi1>, vector<128x1xf32>
    %slice3A_363 = vector.extract_strided_slice %get3A_228 {offsets = [1024, 0], sizes = [128, 8], strides = [1, 1]} : vector<2048x8xf32> to vector<128x8xf32>
    %slice3A_364 = vector.extract_strided_slice %slice3A_363 {offsets = [0, 7], sizes = [128, 1], strides = [1, 1]} : vector<128x8xf32> to vector<128x1xf32>
    %gt3A_365 = arith.constant 3.000000e-01 : f32
    %gt3A_366 = vector.broadcast %gt3A_365 : f32 to vector<128x1xf32>
    %gt3A_367 = arith.cmpf ogt, %slice3A_364, %gt3A_366 : vector<128x1xf32>
    %jit3A_368 = arith.constant 0.000000e+00 : f32
    %broadcast_in_dim3A_369 = vector.shape_cast %gt3A_367 : vector<128x1xi1> to vector<128x1xi1>
    %broadcast_in_dim3A_370 = vector.broadcast %broadcast_in_dim3A_369 : vector<128x1xi1> to vector<128x8xi1>
    %broadcast_in_dim3A_371 = vector.broadcast %jit3A_368 : f32 to vector<128x8xf32>
    %select_n3A_372 = arith.select %broadcast_in_dim3A_370, %slice3A_363, %broadcast_in_dim3A_371 : vector<128x8xi1>, vector<128x8xf32>
    %slice3A_373 = vector.extract_strided_slice %add3A_250 {offsets = [1024, 0], sizes = [128, 1], strides = [1, 1]} : vector<2048x1xf32> to vector<128x1xf32>
    %jit3A_374 = arith.constant -1.000000e+09 : f32
    %broadcast_in_dim3A_375 = vector.broadcast %jit3A_374 : f32 to vector<128x1xf32>
    %select_n3A_376 = arith.select %gt3A_367, %slice3A_373, %broadcast_in_dim3A_375 : vector<128x1xi1>, vector<128x1xf32>
    %slice3A_377 = vector.extract_strided_slice %get3A_228 {offsets = [1152, 0], sizes = [128, 8], strides = [1, 1]} : vector<2048x8xf32> to vector<128x8xf32>
    %slice3A_378 = vector.extract_strided_slice %slice3A_377 {offsets = [0, 7], sizes = [128, 1], strides = [1, 1]} : vector<128x8xf32> to vector<128x1xf32>
    %gt3A_379 = arith.constant 3.000000e-01 : f32
    %gt3A_380 = vector.broadcast %gt3A_379 : f32 to vector<128x1xf32>
    %gt3A_381 = arith.cmpf ogt, %slice3A_378, %gt3A_380 : vector<128x1xf32>
    %jit3A_382 = arith.constant 0.000000e+00 : f32
    %broadcast_in_dim3A_383 = vector.shape_cast %gt3A_381 : vector<128x1xi1> to vector<128x1xi1>
    %broadcast_in_dim3A_384 = vector.broadcast %broadcast_in_dim3A_383 : vector<128x1xi1> to vector<128x8xi1>
    %broadcast_in_dim3A_385 = vector.broadcast %jit3A_382 : f32 to vector<128x8xf32>
    %select_n3A_386 = arith.select %broadcast_in_dim3A_384, %slice3A_377, %broadcast_in_dim3A_385 : vector<128x8xi1>, vector<128x8xf32>
    %slice3A_387 = vector.extract_strided_slice %add3A_250 {offsets = [1152, 0], sizes = [128, 1], strides = [1, 1]} : vector<2048x1xf32> to vector<128x1xf32>
    %jit3A_388 = arith.constant -1.000000e+09 : f32
    %broadcast_in_dim3A_389 = vector.broadcast %jit3A_388 : f32 to vector<128x1xf32>
    %select_n3A_390 = arith.select %gt3A_381, %slice3A_387, %broadcast_in_dim3A_389 : vector<128x1xi1>, vector<128x1xf32>
    %slice3A_391 = vector.extract_strided_slice %get3A_228 {offsets = [1280, 0], sizes = [128, 8], strides = [1, 1]} : vector<2048x8xf32> to vector<128x8xf32>
    %slice3A_392 = vector.extract_strided_slice %slice3A_391 {offsets = [0, 7], sizes = [128, 1], strides = [1, 1]} : vector<128x8xf32> to vector<128x1xf32>
    %gt3A_393 = arith.constant 3.000000e-01 : f32
    %gt3A_394 = vector.broadcast %gt3A_393 : f32 to vector<128x1xf32>
    %gt3A_395 = arith.cmpf ogt, %slice3A_392, %gt3A_394 : vector<128x1xf32>
    %jit3A_396 = arith.constant 0.000000e+00 : f32
    %broadcast_in_dim3A_397 = vector.shape_cast %gt3A_395 : vector<128x1xi1> to vector<128x1xi1>
    %broadcast_in_dim3A_398 = vector.broadcast %broadcast_in_dim3A_397 : vector<128x1xi1> to vector<128x8xi1>
    %broadcast_in_dim3A_399 = vector.broadcast %jit3A_396 : f32 to vector<128x8xf32>
    %select_n3A_400 = arith.select %broadcast_in_dim3A_398, %slice3A_391, %broadcast_in_dim3A_399 : vector<128x8xi1>, vector<128x8xf32>
    %slice3A_401 = vector.extract_strided_slice %add3A_250 {offsets = [1280, 0], sizes = [128, 1], strides = [1, 1]} : vector<2048x1xf32> to vector<128x1xf32>
    %jit3A_402 = arith.constant -1.000000e+09 : f32
    %broadcast_in_dim3A_403 = vector.broadcast %jit3A_402 : f32 to vector<128x1xf32>
    %select_n3A_404 = arith.select %gt3A_395, %slice3A_401, %broadcast_in_dim3A_403 : vector<128x1xi1>, vector<128x1xf32>
    %slice3A_405 = vector.extract_strided_slice %get3A_228 {offsets = [1408, 0], sizes = [128, 8], strides = [1, 1]} : vector<2048x8xf32> to vector<128x8xf32>
    %slice3A_406 = vector.extract_strided_slice %slice3A_405 {offsets = [0, 7], sizes = [128, 1], strides = [1, 1]} : vector<128x8xf32> to vector<128x1xf32>
    %gt3A_407 = arith.constant 3.000000e-01 : f32
    %gt3A_408 = vector.broadcast %gt3A_407 : f32 to vector<128x1xf32>
    %gt3A_409 = arith.cmpf ogt, %slice3A_406, %gt3A_408 : vector<128x1xf32>
    %jit3A_410 = arith.constant 0.000000e+00 : f32
    %broadcast_in_dim3A_411 = vector.shape_cast %gt3A_409 : vector<128x1xi1> to vector<128x1xi1>
    %broadcast_in_dim3A_412 = vector.broadcast %broadcast_in_dim3A_411 : vector<128x1xi1> to vector<128x8xi1>
    %broadcast_in_dim3A_413 = vector.broadcast %jit3A_410 : f32 to vector<128x8xf32>
    %select_n3A_414 = arith.select %broadcast_in_dim3A_412, %slice3A_405, %broadcast_in_dim3A_413 : vector<128x8xi1>, vector<128x8xf32>
    %slice3A_415 = vector.extract_strided_slice %add3A_250 {offsets = [1408, 0], sizes = [128, 1], strides = [1, 1]} : vector<2048x1xf32> to vector<128x1xf32>
    %jit3A_416 = arith.constant -1.000000e+09 : f32
    %broadcast_in_dim3A_417 = vector.broadcast %jit3A_416 : f32 to vector<128x1xf32>
    %select_n3A_418 = arith.select %gt3A_409, %slice3A_415, %broadcast_in_dim3A_417 : vector<128x1xi1>, vector<128x1xf32>
    %slice3A_419 = vector.extract_strided_slice %get3A_228 {offsets = [1536, 0], sizes = [128, 8], strides = [1, 1]} : vector<2048x8xf32> to vector<128x8xf32>
    %slice3A_420 = vector.extract_strided_slice %slice3A_419 {offsets = [0, 7], sizes = [128, 1], strides = [1, 1]} : vector<128x8xf32> to vector<128x1xf32>
    %gt3A_421 = arith.constant 3.000000e-01 : f32
    %gt3A_422 = vector.broadcast %gt3A_421 : f32 to vector<128x1xf32>
    %gt3A_423 = arith.cmpf ogt, %slice3A_420, %gt3A_422 : vector<128x1xf32>
    %jit3A_424 = arith.constant 0.000000e+00 : f32
    %broadcast_in_dim3A_425 = vector.shape_cast %gt3A_423 : vector<128x1xi1> to vector<128x1xi1>
    %broadcast_in_dim3A_426 = vector.broadcast %broadcast_in_dim3A_425 : vector<128x1xi1> to vector<128x8xi1>
    %broadcast_in_dim3A_427 = vector.broadcast %jit3A_424 : f32 to vector<128x8xf32>
    %select_n3A_428 = arith.select %broadcast_in_dim3A_426, %slice3A_419, %broadcast_in_dim3A_427 : vector<128x8xi1>, vector<128x8xf32>
    %slice3A_429 = vector.extract_strided_slice %add3A_250 {offsets = [1536, 0], sizes = [128, 1], strides = [1, 1]} : vector<2048x1xf32> to vector<128x1xf32>
    %jit3A_430 = arith.constant -1.000000e+09 : f32
    %broadcast_in_dim3A_431 = vector.broadcast %jit3A_430 : f32 to vector<128x1xf32>
    %select_n3A_432 = arith.select %gt3A_423, %slice3A_429, %broadcast_in_dim3A_431 : vector<128x1xi1>, vector<128x1xf32>
    %slice3A_433 = vector.extract_strided_slice %get3A_228 {offsets = [1664, 0], sizes = [128, 8], strides = [1, 1]} : vector<2048x8xf32> to vector<128x8xf32>
    %slice3A_434 = vector.extract_strided_slice %slice3A_433 {offsets = [0, 7], sizes = [128, 1], strides = [1, 1]} : vector<128x8xf32> to vector<128x1xf32>
    %gt3A_435 = arith.constant 3.000000e-01 : f32
    %gt3A_436 = vector.broadcast %gt3A_435 : f32 to vector<128x1xf32>
    %gt3A_437 = arith.cmpf ogt, %slice3A_434, %gt3A_436 : vector<128x1xf32>
    %jit3A_438 = arith.constant 0.000000e+00 : f32
    %broadcast_in_dim3A_439 = vector.shape_cast %gt3A_437 : vector<128x1xi1> to vector<128x1xi1>
    %broadcast_in_dim3A_440 = vector.broadcast %broadcast_in_dim3A_439 : vector<128x1xi1> to vector<128x8xi1>
    %broadcast_in_dim3A_441 = vector.broadcast %jit3A_438 : f32 to vector<128x8xf32>
    %select_n3A_442 = arith.select %broadcast_in_dim3A_440, %slice3A_433, %broadcast_in_dim3A_441 : vector<128x8xi1>, vector<128x8xf32>
    %slice3A_443 = vector.extract_strided_slice %add3A_250 {offsets = [1664, 0], sizes = [128, 1], strides = [1, 1]} : vector<2048x1xf32> to vector<128x1xf32>
    %jit3A_444 = arith.constant -1.000000e+09 : f32
    %broadcast_in_dim3A_445 = vector.broadcast %jit3A_444 : f32 to vector<128x1xf32>
    %select_n3A_446 = arith.select %gt3A_437, %slice3A_443, %broadcast_in_dim3A_445 : vector<128x1xi1>, vector<128x1xf32>
    %slice3A_447 = vector.extract_strided_slice %get3A_228 {offsets = [1792, 0], sizes = [128, 8], strides = [1, 1]} : vector<2048x8xf32> to vector<128x8xf32>
    %slice3A_448 = vector.extract_strided_slice %slice3A_447 {offsets = [0, 7], sizes = [128, 1], strides = [1, 1]} : vector<128x8xf32> to vector<128x1xf32>
    %gt3A_449 = arith.constant 3.000000e-01 : f32
    %gt3A_450 = vector.broadcast %gt3A_449 : f32 to vector<128x1xf32>
    %gt3A_451 = arith.cmpf ogt, %slice3A_448, %gt3A_450 : vector<128x1xf32>
    %jit3A_452 = arith.constant 0.000000e+00 : f32
    %broadcast_in_dim3A_453 = vector.shape_cast %gt3A_451 : vector<128x1xi1> to vector<128x1xi1>
    %broadcast_in_dim3A_454 = vector.broadcast %broadcast_in_dim3A_453 : vector<128x1xi1> to vector<128x8xi1>
    %broadcast_in_dim3A_455 = vector.broadcast %jit3A_452 : f32 to vector<128x8xf32>
    %select_n3A_456 = arith.select %broadcast_in_dim3A_454, %slice3A_447, %broadcast_in_dim3A_455 : vector<128x8xi1>, vector<128x8xf32>
    %slice3A_457 = vector.extract_strided_slice %add3A_250 {offsets = [1792, 0], sizes = [128, 1], strides = [1, 1]} : vector<2048x1xf32> to vector<128x1xf32>
    %jit3A_458 = arith.constant -1.000000e+09 : f32
    %broadcast_in_dim3A_459 = vector.broadcast %jit3A_458 : f32 to vector<128x1xf32>
    %select_n3A_460 = arith.select %gt3A_451, %slice3A_457, %broadcast_in_dim3A_459 : vector<128x1xi1>, vector<128x1xf32>
    %slice3A_461 = vector.extract_strided_slice %get3A_228 {offsets = [1920, 0], sizes = [128, 8], strides = [1, 1]} : vector<2048x8xf32> to vector<128x8xf32>
    %slice3A_462 = vector.extract_strided_slice %slice3A_461 {offsets = [0, 7], sizes = [128, 1], strides = [1, 1]} : vector<128x8xf32> to vector<128x1xf32>
    %gt3A_463 = arith.constant 3.000000e-01 : f32
    %gt3A_464 = vector.broadcast %gt3A_463 : f32 to vector<128x1xf32>
    %gt3A_465 = arith.cmpf ogt, %slice3A_462, %gt3A_464 : vector<128x1xf32>
    %jit3A_466 = arith.constant 0.000000e+00 : f32
    %broadcast_in_dim3A_467 = vector.shape_cast %gt3A_465 : vector<128x1xi1> to vector<128x1xi1>
    %broadcast_in_dim3A_468 = vector.broadcast %broadcast_in_dim3A_467 : vector<128x1xi1> to vector<128x8xi1>
    %broadcast_in_dim3A_469 = vector.broadcast %jit3A_466 : f32 to vector<128x8xf32>
    %select_n3A_470 = arith.select %broadcast_in_dim3A_468, %slice3A_461, %broadcast_in_dim3A_469 : vector<128x8xi1>, vector<128x8xf32>
    %slice3A_471 = vector.extract_strided_slice %add3A_250 {offsets = [1920, 0], sizes = [128, 1], strides = [1, 1]} : vector<2048x1xf32> to vector<128x1xf32>
    %jit3A_472 = arith.constant -1.000000e+09 : f32
    %broadcast_in_dim3A_473 = vector.broadcast %jit3A_472 : f32 to vector<128x1xf32>
    %select_n3A_474 = arith.select %gt3A_465, %slice3A_471, %broadcast_in_dim3A_473 : vector<128x1xi1>, vector<128x1xf32>
    %concatenate3A = tpu.concatenate %select_n3A_264, %select_n3A_278, %select_n3A_292, %select_n3A_306, %select_n3A_320, %select_n3A_334, %select_n3A_348, %select_n3A_362, %select_n3A_376, %select_n3A_390, %select_n3A_404, %select_n3A_418, %select_n3A_432, %select_n3A_446, %select_n3A_460, %select_n3A_474 in 1 : vector<128x1xf32>, vector<128x1xf32>, vector<128x1xf32>, vector<128x1xf32>, vector<128x1xf32>, vector<128x1xf32>, vector<128x1xf32>, vector<128x1xf32>, vector<128x1xf32>, vector<128x1xf32>, vector<128x1xf32>, vector<128x1xf32>, vector<128x1xf32>, vector<128x1xf32>, vector<128x1xf32>, vector<128x1xf32> -> vector<128x16xf32>
    %reduce_max3A_475 = arith.constant dense<0xFF800000> : vector<128xf32>
    %reduce_max3A_476 = vector.multi_reduction <maximumf>, %concatenate3A, %reduce_max3A_475 [1] : vector<128x16xf32> to vector<128xf32>
    %broadcast_in_dim3A_477 = vector.shape_cast %reduce_max3A_476 : vector<128xf32> to vector<128x1xf32>
    %sub3A_478 = vector.broadcast %broadcast_in_dim3A_477 : vector<128x1xf32> to vector<128x16xf32>
    %sub3A_479 = arith.subf %concatenate3A, %sub3A_478 : vector<128x16xf32>
    %exp3A = math.exp %sub3A_479 : vector<128x16xf32>
    %reduce_sum3A_480 = arith.constant dense<0.000000e+00> : vector<128xf32>
    %reduce_sum3A_481 = vector.multi_reduction <add>, %exp3A, %reduce_sum3A_480 [1] : vector<128x16xf32> to vector<128xf32>
    %broadcast_in_dim3A_482 = vector.shape_cast %reduce_sum3A_481 : vector<128xf32> to vector<128x1xf32>
    %div3A_483 = vector.broadcast %broadcast_in_dim3A_482 : vector<128x1xf32> to vector<128x16xf32>
    %div3A_484 = arith.divf %exp3A, %div3A_483 : vector<128x16xf32>
    %slice3A_485 = vector.extract_strided_slice %div3A_484 {offsets = [0, 0], sizes = [128, 1], strides = [1, 1]} : vector<128x16xf32> to vector<128x1xf32>
    %mul3A_486 = vector.broadcast %slice3A_485 : vector<128x1xf32> to vector<128x8xf32>
    %mul3A_487 = arith.mulf %select_n3A_260, %mul3A_486 : vector<128x8xf32>
    %slice3A_488 = vector.extract_strided_slice %div3A_484 {offsets = [0, 1], sizes = [128, 1], strides = [1, 1]} : vector<128x16xf32> to vector<128x1xf32>
    %mul3A_489 = vector.broadcast %slice3A_488 : vector<128x1xf32> to vector<128x8xf32>
    %mul3A_490 = arith.mulf %select_n3A_274, %mul3A_489 : vector<128x8xf32>
    %add3A_491 = arith.addf %mul3A_487, %mul3A_490 : vector<128x8xf32>
    %slice3A_492 = vector.extract_strided_slice %div3A_484 {offsets = [0, 2], sizes = [128, 1], strides = [1, 1]} : vector<128x16xf32> to vector<128x1xf32>
    %mul3A_493 = vector.broadcast %slice3A_492 : vector<128x1xf32> to vector<128x8xf32>
    %mul3A_494 = arith.mulf %select_n3A_288, %mul3A_493 : vector<128x8xf32>
    %add3A_495 = arith.addf %add3A_491, %mul3A_494 : vector<128x8xf32>
    %slice3A_496 = vector.extract_strided_slice %div3A_484 {offsets = [0, 3], sizes = [128, 1], strides = [1, 1]} : vector<128x16xf32> to vector<128x1xf32>
    %mul3A_497 = vector.broadcast %slice3A_496 : vector<128x1xf32> to vector<128x8xf32>
    %mul3A_498 = arith.mulf %select_n3A_302, %mul3A_497 : vector<128x8xf32>
    %add3A_499 = arith.addf %add3A_495, %mul3A_498 : vector<128x8xf32>
    %slice3A_500 = vector.extract_strided_slice %div3A_484 {offsets = [0, 4], sizes = [128, 1], strides = [1, 1]} : vector<128x16xf32> to vector<128x1xf32>
    %mul3A_501 = vector.broadcast %slice3A_500 : vector<128x1xf32> to vector<128x8xf32>
    %mul3A_502 = arith.mulf %select_n3A_316, %mul3A_501 : vector<128x8xf32>
    %add3A_503 = arith.addf %add3A_499, %mul3A_502 : vector<128x8xf32>
    %slice3A_504 = vector.extract_strided_slice %div3A_484 {offsets = [0, 5], sizes = [128, 1], strides = [1, 1]} : vector<128x16xf32> to vector<128x1xf32>
    %mul3A_505 = vector.broadcast %slice3A_504 : vector<128x1xf32> to vector<128x8xf32>
    %mul3A_506 = arith.mulf %select_n3A_330, %mul3A_505 : vector<128x8xf32>
    %add3A_507 = arith.addf %add3A_503, %mul3A_506 : vector<128x8xf32>
    %slice3A_508 = vector.extract_strided_slice %div3A_484 {offsets = [0, 6], sizes = [128, 1], strides = [1, 1]} : vector<128x16xf32> to vector<128x1xf32>
    %mul3A_509 = vector.broadcast %slice3A_508 : vector<128x1xf32> to vector<128x8xf32>
    %mul3A_510 = arith.mulf %select_n3A_344, %mul3A_509 : vector<128x8xf32>
    %add3A_511 = arith.addf %add3A_507, %mul3A_510 : vector<128x8xf32>
    %slice3A_512 = vector.extract_strided_slice %div3A_484 {offsets = [0, 7], sizes = [128, 1], strides = [1, 1]} : vector<128x16xf32> to vector<128x1xf32>
    %mul3A_513 = vector.broadcast %slice3A_512 : vector<128x1xf32> to vector<128x8xf32>
    %mul3A_514 = arith.mulf %select_n3A_358, %mul3A_513 : vector<128x8xf32>
    %add3A_515 = arith.addf %add3A_511, %mul3A_514 : vector<128x8xf32>
    %slice3A_516 = vector.extract_strided_slice %div3A_484 {offsets = [0, 8], sizes = [128, 1], strides = [1, 1]} : vector<128x16xf32> to vector<128x1xf32>
    %mul3A_517 = vector.broadcast %slice3A_516 : vector<128x1xf32> to vector<128x8xf32>
    %mul3A_518 = arith.mulf %select_n3A_372, %mul3A_517 : vector<128x8xf32>
    %add3A_519 = arith.addf %add3A_515, %mul3A_518 : vector<128x8xf32>
    %slice3A_520 = vector.extract_strided_slice %div3A_484 {offsets = [0, 9], sizes = [128, 1], strides = [1, 1]} : vector<128x16xf32> to vector<128x1xf32>
    %mul3A_521 = vector.broadcast %slice3A_520 : vector<128x1xf32> to vector<128x8xf32>
    %mul3A_522 = arith.mulf %select_n3A_386, %mul3A_521 : vector<128x8xf32>
    %add3A_523 = arith.addf %add3A_519, %mul3A_522 : vector<128x8xf32>
    %slice3A_524 = vector.extract_strided_slice %div3A_484 {offsets = [0, 10], sizes = [128, 1], strides = [1, 1]} : vector<128x16xf32> to vector<128x1xf32>
    %mul3A_525 = vector.broadcast %slice3A_524 : vector<128x1xf32> to vector<128x8xf32>
    %mul3A_526 = arith.mulf %select_n3A_400, %mul3A_525 : vector<128x8xf32>
    %add3A_527 = arith.addf %add3A_523, %mul3A_526 : vector<128x8xf32>
    %slice3A_528 = vector.extract_strided_slice %div3A_484 {offsets = [0, 11], sizes = [128, 1], strides = [1, 1]} : vector<128x16xf32> to vector<128x1xf32>
    %mul3A_529 = vector.broadcast %slice3A_528 : vector<128x1xf32> to vector<128x8xf32>
    %mul3A_530 = arith.mulf %select_n3A_414, %mul3A_529 : vector<128x8xf32>
    %add3A_531 = arith.addf %add3A_527, %mul3A_530 : vector<128x8xf32>
    %slice3A_532 = vector.extract_strided_slice %div3A_484 {offsets = [0, 12], sizes = [128, 1], strides = [1, 1]} : vector<128x16xf32> to vector<128x1xf32>
    %mul3A_533 = vector.broadcast %slice3A_532 : vector<128x1xf32> to vector<128x8xf32>
    %mul3A_534 = arith.mulf %select_n3A_428, %mul3A_533 : vector<128x8xf32>
    %add3A_535 = arith.addf %add3A_531, %mul3A_534 : vector<128x8xf32>
    %slice3A_536 = vector.extract_strided_slice %div3A_484 {offsets = [0, 13], sizes = [128, 1], strides = [1, 1]} : vector<128x16xf32> to vector<128x1xf32>
    %mul3A_537 = vector.broadcast %slice3A_536 : vector<128x1xf32> to vector<128x8xf32>
    %mul3A_538 = arith.mulf %select_n3A_442, %mul3A_537 : vector<128x8xf32>
    %add3A_539 = arith.addf %add3A_535, %mul3A_538 : vector<128x8xf32>
    %slice3A_540 = vector.extract_strided_slice %div3A_484 {offsets = [0, 14], sizes = [128, 1], strides = [1, 1]} : vector<128x16xf32> to vector<128x1xf32>
    %mul3A_541 = vector.broadcast %slice3A_540 : vector<128x1xf32> to vector<128x8xf32>
    %mul3A_542 = arith.mulf %select_n3A_456, %mul3A_541 : vector<128x8xf32>
    %add3A_543 = arith.addf %add3A_539, %mul3A_542 : vector<128x8xf32>
    %slice3A_544 = vector.extract_strided_slice %div3A_484 {offsets = [0, 15], sizes = [128, 1], strides = [1, 1]} : vector<128x16xf32> to vector<128x1xf32>
    %mul3A_545 = vector.broadcast %slice3A_544 : vector<128x1xf32> to vector<128x8xf32>
    %mul3A_546 = arith.mulf %select_n3A_470, %mul3A_545 : vector<128x8xf32>
    %add3A_547 = arith.addf %add3A_543, %mul3A_546 : vector<128x8xf32>
    %slice3A_548 = vector.extract_strided_slice %add3A_547 {offsets = [0, 3], sizes = [128, 3], strides = [1, 1]} : vector<128x8xf32> to vector<128x3xf32>
    %le3A = arith.constant 0.000000e+00 : f32
    %le3A_549 = vector.broadcast %le3A : f32 to vector<128x3xf32>
    %le3A_550 = arith.cmpf ole, %slice3A_548, %le3A_549 : vector<128x3xf32>
    %get3A_551 = arith.constant 0 : index
    %get3A_552 = arith.constant 3 : index
    %get3A_553 = vector.load %arg1[%get3A_551, %get3A_552] : memref<128x8xf32, #tpu.memory_space<vmem>>, vector<128x3xf32>
    %slice3A_554 = vector.extract_strided_slice %add3A_547 {offsets = [0, 3], sizes = [128, 3], strides = [1, 1]} : vector<128x8xf32> to vector<128x3xf32>
    %select_n3A_555 = arith.select %le3A_550, %get3A_553, %slice3A_554 : vector<128x3xi1>, vector<128x3xf32>
    %slice3A_556 = vector.extract_strided_slice %add3A_547 {offsets = [0, 0], sizes = [128, 3], strides = [1, 1]} : vector<128x8xf32> to vector<128x3xf32>
    %slice3A_557 = vector.extract_strided_slice %add3A_547 {offsets = [0, 6], sizes = [128, 2], strides = [1, 1]} : vector<128x8xf32> to vector<128x2xf32>
    %concatenate3A_558 = tpu.concatenate %slice3A_556, %select_n3A_555, %slice3A_557 in 1 : vector<128x3xf32>, vector<128x3xf32>, vector<128x2xf32> -> vector<128x8xf32>
    %gt3A_559 = arith.constant 0.000000e+00 : f32
    %gt3A_560 = vector.broadcast %gt3A_559 : f32 to vector<128x1xf32>
    %gt3A_561 = arith.cmpf ogt, %transpose3A_102, %gt3A_560 : vector<128x1xf32>
    %jit3A_562 = arith.constant 0.000000e+00 : f32
    %broadcast_in_dim3A_563 = vector.shape_cast %gt3A_561 : vector<128x1xi1> to vector<128x1xi1>
    %broadcast_in_dim3A_564 = vector.broadcast %broadcast_in_dim3A_563 : vector<128x1xi1> to vector<128x8xi1>
    %broadcast_in_dim3A_565 = vector.broadcast %jit3A_562 : f32 to vector<128x8xf32>
    %select_n3A_566 = arith.select %broadcast_in_dim3A_564, %concatenate3A_558, %broadcast_in_dim3A_565 : vector<128x8xi1>, vector<128x8xf32>
    %swap3A_567 = arith.constant 0 : index
    %swap3A_568 = arith.constant 0 : index
    %swap3A_569 = vector.load %arg11[%swap3A_567, %swap3A_568] : memref<128x8xf32, #tpu.memory_space<vmem>>, vector<128x8xf32>
    tpu.vector_store %arg11[%swap3A_567, %swap3A_568], %select_n3A_566 {strides = array<i32>} : memref<128x8xf32, #tpu.memory_space<vmem>>, vector<128x8xf32>,
    return
  }
  func.func @transform_0(%arg0: i32) -> (i32, i32) {
    %c0_i32 = arith.constant 0 : i32
    %c0_i32_0 = arith.constant 0 : i32
    return %arg0, %c0_i32 : i32, i32
  }
  func.func @transform_1(%arg0: i32) -> (i32, i32) {
    %c0_i32 = arith.constant 0 : i32
    %c0_i32_0 = arith.constant 0 : i32
    return %c0_i32, %arg0 : i32, i32
  }
  func.func @transform_2(%arg0: i32) -> (i32, i32) {
    %c0_i32 = arith.constant 0 : i32
    %c0_i32_0 = arith.constant 0 : i32
    %c0_i32_1 = arith.constant 0 : i32
    return %c0_i32, %c0_i32_0 : i32, i32
  }
  func.func @transform_3(%arg0: i32) -> (i32, i32) {
    %c0_i32 = arith.constant 0 : i32
    %c0_i32_0 = arith.constant 0 : i32
    %c0_i32_1 = arith.constant 0 : i32
    return %c0_i32, %c0_i32_0 : i32, i32
  }
  func.func @transform_4(%arg0: i32) -> (i32, i32) {
    %c0_i32 = arith.constant 0 : i32
    %c0_i32_0 = arith.constant 0 : i32
    %c0_i32_1 = arith.constant 0 : i32
    return %c0_i32, %c0_i32_0 : i32, i32
  }
  func.func @transform_5(%arg0: i32) -> (i32, i32) {
    %c0_i32 = arith.constant 0 : i32
    %c0_i32_0 = arith.constant 0 : i32
    %c0_i32_1 = arith.constant 0 : i32
    return %c0_i32, %c0_i32_0 : i32, i32
  }
  func.func @transform_6(%arg0: i32) -> (i32, i32) {
    %c0_i32 = arith.constant 0 : i32
    %c0_i32_0 = arith.constant 0 : i32
    %c0_i32_1 = arith.constant 0 : i32
    return %c0_i32, %c0_i32_0 : i32, i32
  }
  func.func @transform_7(%arg0: i32) -> (i32, i32) {
    %c0_i32 = arith.constant 0 : i32
    %c0_i32_0 = arith.constant 0 : i32
    %c0_i32_1 = arith.constant 0 : i32
    return %c0_i32, %c0_i32_0 : i32, i32
  }
  func.func @transform_8(%arg0: i32) -> (i32, i32) {
    %c0_i32 = arith.constant 0 : i32
    %c0_i32_0 = arith.constant 0 : i32
    %c0_i32_1 = arith.constant 0 : i32
    return %c0_i32, %c0_i32_0 : i32, i32
  }
  func.func @transform_9(%arg0: i32) -> (i32, i32) {
    %c0_i32 = arith.constant 0 : i32
    %c0_i32_0 = arith.constant 0 : i32
    %c0_i32_1 = arith.constant 0 : i32
    return %c0_i32, %c0_i32_0 : i32, i32
  }
  func.func @transform_10(%arg0: i32) -> (i32, i32) {
    %c0_i32 = arith.constant 0 : i32
    %c0_i32_0 = arith.constant 0 : i32
    return %arg0, %c0_i32 : i32, i32
  }
}

</mosaic_0001>

<sc_bundles>
// kernel: gather_offload_async_start.1
scs
__scs_entry_jumppad:
0x0: {  	(pc) =	sbr.rel $0x88, $3  }
0x1: {  	(tag) =	ssettag $0x0;
	lr =	simm.s32 $0x1  }
0x2: {  	[smem:$0x3F9A] =	sst lr;
	_ =	strace $0xD0000000  }
0x3: {  	_ = 	snop  }
0x4: {  	_ = 	snop  }
0x5: {  	_ = 	snop  }
0x6: {  	_ = 	snop  }
0x7: {  	_ = 	snop  }
__scs_overlays_trampoline_lowered:
0x8: {  	[smem:$0x3FA9] =	sst s0  }
0x9: {  	[smem:$0x3FAA] =	sst s1  }
0xa: {  	[smem:$0x3FAB] =	sst s2  }
0xb: {  	[smem:$0x3FAC] =	sst s3  }
0xc: {  	[smem:$0x3FAD] =	sst s4  }
0xd: {  	[smem:$0x3FAE] =	sst s5  }
0xe: {  	[smem:$0x3FAF] =	sst s6  }
0xf: {  	[smem:$0x3FB0] =	sst s7  }
0x10: {  	[smem:$0x3FB1] =	sst s8  }
0x11: {  	[smem:$0x3FB2] =	sst s9;
	s0 =	simm.s32 @!p0 $0x0  }
0x12: {  	s1 =	sld [smem:$0x3F98];
	s0 =	simm.s32 @p0 $0x1  }
0x13: {  	[smem:$0x3FB3] =	sst s0;
	s0 =	simm.s32 @!p1 $0x0  }
0x14: {  	s2 =	sld [smem:$0x3F97];
	s0 =	simm.s32 @p1 $0x1  }
0x15: {  	[smem:$0x3FB4] =	sst s0;
	s0 =	simm.s32 @!p2 $0x0  }
0x16: {  	s3 =	sld [smem:$0x3FDB];
	s0 =	simm.s32 @p2 $0x1  }
0x17: {  	s4 =	simm.s32 $0x1BF5;
	[smem:$0x3FB6] =	sst s0  }
0x18: {  	s0 =	sld [smem:$0x3F99];
	_ =	swait.ge [sflag:s4], $0x0  }
0x19: {  	s7 =	sld [smem:$0x3F9A]  }
0x1a: {  	s8 =	sadd.s32 $0xFFFFE003, lr  }
0x1b: {  	s9 =	sadd.s32 $0xFFFFFEF7, lr;
	s5 =	simm.s32 $0xFFFFFFFF;
	p2 =	slt.u32 s8, $0xFFFFF086  }
0x1c: {  	p1 =	slt.u32 s9, $0xF7A;
	s5 =	simm.s32 @!p2 $0x0  }
0x1d: {  	s5 =	simm.s32 @p1 $0x1;
	p0 =	seq.s32 s7, s2  }
0x1e: {  	s7 =	smul.u32 @!p0 $0xF7A, s2;
	p2 =	seq.s32 @!p0 s5, $0x0  }
0x1f: {  	s9 =	smul.u32 $0xF7A, s1;
	s8 =	simm.s32 @!p0 $0x1BF5;
	p2 =	por !p2, p0  }
0x20: {  	[sflag:s8] =	ssyncset.s32 @!p0 $0xFFFFF086;
	s6 =	sadd.s32 @!p0 s3, s7;
	s7 =	simm.s32 @!p0 $0x108  }
0x21: {  	s3 =	sadd.s32 s3, s9;
	s6 =	sadd.s32 @!p0 $0x88, s6;
	s7 =	simm.s32 @p2 $0x1082  }
0x22: {  	[simem:s7], [sflag:s8] =	dma.local @!p0 [hbm:s6], $0xF7A  }
0x23: {  	s9 =	sor.u32 $0xD0000000, s2;
	s6 =	simm.s32 $0x108;
	_ =	swait.ge @!p0 [sflag:s8], $0x0  }
0x24: {  	s3 =	sadd.s32 $0x88, s3;
	s6 =	simm.s32 @!p1 $0x1082;
	[sflag:s4] =	ssyncset.s32 $0xFFFFF086  }
0x25: {  	[simem:s6], [sflag:s4] =	dma.local [hbm:s3], $0xF7A  }
0x26: {  	[smem:$0x3F9A] =	sst s1;
	(tag) =	ssettag s2;
	_ =	strace s9  }
0x27: {  	s1 =	sld [smem:$0x3FAA]  }
0x28: {  	s2 =	sld [smem:$0x3FAB]  }
0x29: {  	s4 =	sld [smem:$0x3FAD]  }
0x2a: {  	p0 =	seq.s32 s5, $0x0;
	s5 =	sld [smem:$0x3FAE]  }
0x2b: {  	s6 =	sld [smem:$0x3FAF]  }
0x2c: {  	s7 =	sld [smem:$0x3FB0]  }
0x2d: {  	s3 =	simm.s32 $0x108;
	s8 =	sld [smem:$0x3FB1]  }
0x2e: {  	s3 =	simm.s32 @!p0 $0x1082;
	s9 =	sld [smem:$0x3FB2]  }
0x2f: {  	lr =	sadd.s32 s0, s3;
	s0 =	sld [smem:$0x3FA9]  }
0x30: {  	s3 =	sld [smem:$0x3FAC]  }
0x31: {  	[smem:$0x3FB5] =	sst s10  }
0x32: {  	s10 =	sld [smem:$0x3FB3];
	_ =	sdelay $0x3  }
0x33: {  	p0 =	seq.s32 s10, $0x1;
	s10 =	sld [smem:$0x3FB5];
	_ =	sdelay $0x3  }
0x34: {  	[smem:$0x3FB5] =	sst s10  }
0x35: {  	s10 =	sld [smem:$0x3FB4];
	_ =	sdelay $0x3  }
0x36: {  	p1 =	seq.s32 s10, $0x1;
	s10 =	sld [smem:$0x3FB5];
	_ =	sdelay $0x3  }
0x37: {  	[smem:$0x3FB5] =	sst s10  }
0x38: {  	s10 =	sld [smem:$0x3FB6]  }
0x39: {  	_ = 	snop;
	(pc) =	sbr.ind lr, $3  }
0x3a: {  	_ = 	snop  }
0x3b: {  	_ = 	snop  }
0x3c: {  	p2 =	seq.s32 s10, $0x1;
	s10 =	sld [smem:$0x3FB5]  }
0x3d: {  	_ =	shalt  }
0x3e: {  	_ =	shalt  }
0x3f: {  	_ =	shalt  }
0x40: {  	_ =	shalt  }
0x41: {  	_ =	shalt  }
0x42: {  	_ =	shalt  }
0x43: {  	_ =	shalt  }
0x44: {  	_ =	shalt  }
0x45: {  	_ =	shalt  }
0x46: {  	_ =	shalt  }
0x47: {  	_ =	shalt  }
0x48: {  	_ =	shalt  }
0x49: {  	_ =	shalt  }
0x4a: {  	_ =	shalt  }
0x4b: {  	_ =	shalt  }
0x4c: {  	_ =	shalt  }
0x4d: {  	_ =	shalt  }
0x4e: {  	_ =	shalt  }
0x4f: {  	_ =	shalt  }
0x50: {  	_ =	shalt  }
0x51: {  	_ =	shalt  }
0x52: {  	_ =	shalt  }
0x53: {  	_ =	shalt  }
0x54: {  	_ =	shalt  }
0x55: {  	_ =	shalt  }
0x56: {  	_ =	shalt  }
0x57: {  	_ =	shalt  }
0x58: {  	_ =	shalt  }
0x59: {  	_ =	shalt  }
0x5a: {  	_ =	shalt  }
0x5b: {  	_ =	shalt  }
0x5c: {  	_ =	shalt  }
0x5d: {  	_ =	shalt  }
0x5e: {  	_ =	shalt  }
0x5f: {  	_ =	shalt  }
0x60: {  	_ =	shalt  }
0x61: {  	_ =	shalt  }
0x62: {  	_ =	shalt  }
0x63: {  	_ =	shalt  }
0x64: {  	_ =	shalt  }
0x65: {  	_ =	shalt  }
0x66: {  	_ =	shalt  }
0x67: {  	_ =	shalt  }
0x68: {  	_ =	shalt  }
0x69: {  	_ =	shalt  }
0x6a: {  	_ =	shalt  }
0x6b: {  	_ =	shalt  }
0x6c: {  	_ =	shalt  }
0x6d: {  	_ =	shalt  }
0x6e: {  	_ =	shalt  }
0x6f: {  	_ =	shalt  }
0x70: {  	_ =	shalt  }
0x71: {  	_ =	shalt  }
0x72: {  	_ =	shalt  }
0x73: {  	_ =	shalt  }
0x74: {  	_ =	shalt  }
0x75: {  	_ =	shalt  }
0x76: {  	_ =	shalt  }
0x77: {  	_ =	shalt  }
0x78: {  	_ =	shalt  }
0x79: {  	_ =	shalt  }
0x7a: {  	_ =	shalt  }
0x7b: {  	_ =	shalt  }
0x7c: {  	_ =	shalt  }
0x7d: {  	_ =	shalt  }
0x7e: {  	_ =	shalt  }
0x7f: {  	_ =	shalt  }
0x80: {  	_ =	shalt  }
0x81: {  	_ =	shalt  }
0x82: {  	_ =	shalt  }
0x83: {  	_ =	shalt  }
0x84: {  	_ =	shalt  }
0x85: {  	_ =	shalt  }
0x86: {  	_ =	shalt  }
0x87: {  	_ =	shalt  }
.Lfunc_end0:
.L_simem_size_0:
called_computation.1_lowered:
.L_overlay_start_0:
0x88: {  	s0 =	sld [smem:$0x3FD9]  }
0x89: {  	s1 =	sld [smem:$0x3FFE];
	_ =	sdelay $0x3  }
0x8a: {  	s0 =	sadd.s32 s1, s0  }
0x8b: {  	[smem:$0x3FC1] =	sst s0  }
0x8c: {  	_ = 	snop  }
0x8d: {  	s0 =	sld [smem:$0x3FC8]  }
0x8e: {  	s16 =	sld [smem:$0x3FD0];
	(tm) =	ssettm $0x1  }
0x8f: {  	s2 =	sld [smem:$0x3FFB];
	_ =	sdelay $0x3  }
0x90: {  	_ =	strace s2  }
0x91: {  	s2 =	sld [smem:$0x3FFC];
	_ =	sdelay $0x3  }
0x92: {  	_ =	strace s2  }
0x93: {  	s2 =	sld [smem:$0x3FFD];
	_ =	sdelay $0x3  }
0x94: {  	_ =	strace s2  }
0x95: {  	_ =	strace $0x8FFFFFFF  }
0x96: {  	s17 =	sld [smem:$0x3FDB];
	_ =	sdelay $0x1  }
0x97: {  	s3 =	simm.s32 $_scs_section_size  }
0x98: {  	s4 =	simm.s32 $_size__tile_overlayer_lowered;
	s5 =	simm.s32 $_tile_overlayer_lowered  }
0x99: {  	s20 =	simm.s32 $0x1BFF;
	s19 =	sshll.u32 s5, $0x1;
	s2 =	sadd.s32 s3, s17  }
0x9a: {  	s6 =	simm.s32 $0x0;
	s18 =	sshll.u32 s4, $0x1;
	s4 =	sadd.s32 s19, s2  }
0x9b: {  	[timem:s6], [sflag:s20] =	dma.local [hbm:s4], s18  }
0x9c: {  	_ =	swait.ge [sflag:s20], s18  }
0x9d: {  	s3 =	ssub.s32 $0x0, s18;
	[sflag:s20] =	ssyncset.done $0x0  }
0x9e: {  	[sflag:s20] =	ssyncadd.s32 s3;
	_ =	sdelay $0x1  }
0x9f: {  	s21 =	simm.s32 $0x1B8B  }
0xa0: {  	_ =	swait.ge [sflag:s21], $0x1  }
0xa1: {  	[sflag:s21] =	ssyncset.done $0x0  }
0xa2: {  	s23 =	simm.s32 $0x1B8E;
	s22 =	sld [smem:$0x3FFE];
	[sflag:s21] =	ssyncadd.s32 $0xFFFFFFFF  }
0xa3: {  	s24 =	simm.s32 $execute0_lowered;
	[smem:$0x3FD2] =	sst s23  }
0xa4: {  	s4 =	sshll.u32 s24, $0x1;
	_ =	strace $0x80000049;
	[dreg:$0x1] =	wrdreg $0xFFFFFFFF  }
0xa5: {  	s25 =	simm.s32 $_size_execute0_lowered;
	s2 =	sadd.s32 s2, s4;
	[dreg:$0x0] =	wrdreg $0x0  }
0xa6: {  	s4 =	sshll.u32 s25, $0x1;
	[dreg:$0x2] =	wrdreg s2  }
0xa7: {  	[dreg:$0x3] =	wrdreg s4  }
0xa8: {  	[dreg:$0x4] =	wrdreg $0xC0  }
0xa9: {  	_ =	task [dreg:s6], $0x5FFFF  }
0xaa: {  	[dreg:$0x1] =	wrdreg $0xFFFFFFFF  }
0xab: {  	[dreg:$0x0] =	wrdreg $0x60  }
0xac: {  	[dreg:$0x2] =	wrdreg s0  }
0xad: {  	[dreg:$0x3] =	wrdreg s16  }
0xae: {  	[dreg:$0x4] =	wrdreg s22  }
0xaf: {  	[dreg:$0x5] =	wrdreg $0xA  }
0xb0: {  	_ =	task.clear_ibuf [dreg:s6], $0x6FFFF;
	_ =	strace $0x90000049  }
0xb1: {  	s26 =	simm.s32 $0xA;
	_ =	strace $0x8000004B  }
0xb2: {  	_ =	swait.ge [sflag:s26], $0x1  }
0xb3: {  	[sflag:s26] =	ssyncadd.s32 $0xFFFFFFFF  }
0xb4: {  	_ =	strace $0x9000004B  }
0xb5: {  	_ =	sfence  }
0xb6: {  	s28 =	sld [smem:$0x0];
	_ =	sdelay $0x1  }
0xb7: {  	s29 =	srdreg.scid  }
0xb8: {  	s30 =	sshll.u32 s29, $0xD;
	s31 =	sshrl.u32 s29, $0x2  }
0xb9: {  	s1 =	sand.u32 $0x1, s29;
	s2 =	sand.u32 $0x4000, s30;
	s0 =	sadd.s32 s31, s28  }
0xba: {  	s1 =	sor.u32 s2, s1;
	s0 =	sshll.u32 s0, $0x11  }
0xbb: {  	s0 =	sor.u32 s0, s1  }
0xbc: {  	s0 =	sadd.s32 $0x8F2B, s0  }
0xbd: {  	[sflag:s0] =	ssyncadd.remote.s32 $0x1  }
0xbe: {  	_ =	sfence.sel $0xFFFF  }
0xbf: {  	[dreg:$0x0] =	wrdreg $0xFFFFFFFF;
	(pc) =	sbr.abs _section_cstart, $3  }
0xc0: {  	[dreg:$0x1] =	wrdreg $0xFFFFFFFF  }
0xc1: {  	_ =	task.clear_ibuf [dreg:s6], $0x2FFFF;
	_ =	strace $0x9FFFFFFF  }
0xc2: {  	(tm) =	ssettm $0x7FFFFFFF  }
0xc3: {  	_ =	shalt  }
tec
execute0_lowered:
.L_overlay_start_1:
0x0: {  	(tag) =	ssettag $0x1  }
0x1: {  	s2 =	rddreg [dreg:$0x0]  }
0x2: {  	s3 =	rddreg [dreg:$0x1]  }
0x3: {  	s5 =	rddreg [dreg:$0x2]  }
0x4: {  	s0 =	rddreg [dreg:$0x3];
	s1 =	stileid.u32  }
0x5: {  	_ =	strace $0x8000004A;
	s6 =	simm.s32 $0x1;
	s8 =	simm.s32 $0x2  }
0x6: {  	s30 =	simm.s32 $0x3;
	s12 =	simm.s32 $0x0;
	s4 =	sshll.u32 s1, $0x4  }
0x7: {  	s9 =	simm.s32 $0x0;
	s10 =	simm.s32 $0x0;
	s7 =	ssub.s32 $0x1380, s4  }
0x8: {  	s5 =	sadd.s32 $0x400, s5;
	[sflag:s6] =	ssyncpa.u1 $0x0;
	s6 =	sshrl.u32 s7, $0x8  }
0x9: {  	[sflag:s8] =	ssyncpa.u1 $0x0;
	s11 =	smov.u32 s4;
	s31 =	sshll.u32 s6, $0x4  }
0xa: {  	[sflag:s30] =	ssyncpa.u1 $0x0;
	s7 =	sadd.s32 $0x2, s6;
	s8 =	sadd.s32 $0x30, s31  }
.LBB2_1:
0xb: {  	p0 =	sgt.u32 s10, s6  }
0xc: {  	s13 =	sxor.u32 @!p0 $0xFFFFFFFF, s9;
	s14 =	sshrl.u32 @!p0 s11, $0x3  }
0xd: {  	s15 =	sand.u32 @!p0 $0x7, s11;
	s13 =	sand.u32 @!p0 $0x10, s13;
	s14 =	sadd.s32 @!p0 s3, s14  }
0xe: {  	[tilespmem:s13], [sflag:$0x2] =	stream.linear.gather @!p0 [hbm4b:s14+s15], $0x10, $0x38;
	[tilespmem:$0x40] =	vst v63  }
0xf: {  	p0 =	seq.s32 s9, $0x0  }
0x10: {  	p1 =	sge.u32 @!p0 s10, s7  }
0x11: {  	p0 =	por p1, p0  }
0x12: {  	s13 =	simm.s32 @!p0 $0x2  }
0x13: {  	_ =	swait.ge @!p0 [sflag:s13], $0x10  }
0x14: {  	[sflag:s13] =	ssyncset.done @!p0 $0x0  }
0x15: {  	[sflag:s13] =	ssyncadd.s32 @!p0 $0xFFFFFFF0;
	s13 =	sand.u32 @!p0 $0x10, s9  }
0x16: {  	(ifvalue) =	ssetifvalue @!p0 $0x7FFFFFFF;
	v0 =	vld.msk @!p0 [tilespmem:s13+$0x0 ss:$0x1], $0xffff;
	_ =	sdelay $0x4  }
0x17: {  	vm0 =	vgt.s32 @!p0 v0, $0x0  }
0x18: {  	v0 =	vnsel @!p0 vm0, $0x0, v0  }
0x19: {  	v0 =	vmin.u32 @!p0 v0, $0x1387;
	_ =	sdelay $0x3  }
0x1a: {  	s14 =	simm.s32 @!p0 $0x0;
	s13 =	sor.u32 @!p0 $0x20, s13;
	(ifvalue) =	ssetifvalue @!p0 $0x7FFFFFFF;
	vm0 =	vmmov @!p0 $0xffff  }
0x1b: {  	[tilespmem:s13], [sflag:$0x1] =	stream.indirect_vreg.gather @!p0 [hbm4b:s2+s14], $0x1, v0, vm0, $0x4038;
	[tilespmem:$0x40] =	vst v63  }
0x1c: {  	s14 =	simm.s32 @!p0 $0x1  }
0x1d: {  	_ =	swait.ge @!p0 [sflag:s14], $0x10  }
0x1e: {  	s15 =	sshrl.u32 @!p0 s12, $0x3;
	[sflag:s14] =	ssyncset.done @!p0 $0x0  }
0x1f: {  	s12 =	sand.u32 @!p0 $0x7, s12;
	[sflag:s14] =	ssyncadd.s32 @!p0 $0xFFFFFFF0;
	s14 =	sadd.s32 @!p0 s5, s15  }
0x20: {  	[hbm4b:s14+s12] =	stream.linear.scatter @!p0 [tilespmem:s13], [sflag:$0x3], $0x10, $0x38;
	[tilespmem:$0x40] =	vst v63  }
0x21: {  	s14 =	sadd.s32 $0x100, s11  }
0x22: {  	s9 =	sadd.s32 $0x10, s9;
	p1 =	sgt.s32 s14, $0x1387  }
0x23: {  	s14 =	smov.u32 @p1 s4;
	p1 =	sne.s32 s8, s9  }
.Ltmp0:
0x24: {  	p0 =	slt.u32 s10, $0x2;
	(pc) =	sbr.rel @p1 .LBB2_1-.Ltmp0, $4  }
0x25: {  	s13 =	simm.s32 @!p0 $0x3  }
0x26: {  	_ =	swait.ge @!p0 [sflag:s13], $0x10  }
0x27: {  	s12 =	smov.u32 s11;
	[sflag:s13] =	ssyncset.done @!p0 $0x0  }
0x28: {  	s10 =	sadd.s32 $0x1, s10;
	s11 =	smov.u32 s14;
	[sflag:s13] =	ssyncadd.s32 @!p0 $0xFFFFFFF0  }
0x29: {  	_ =	sfence.sel $0x180000  }
0x2a: {  	s2 =	simm.s32 $0x2;
	[bflag:$0x0] =	sbarrier.arrive $0xFFFF  }
0x2b: {  	s30 =	simm.s32 $0x3;
	[sflag:s2] =	ssyncpa.u1 $0x1  }
0x2c: {  	s31 =	simm.s32 $0x1;
	[sflag:s30] =	ssyncpa.u1 $0x1  }
0x2d: {  	[sflag:s31] =	ssyncpa.u1 $0x1  }
0x2e: {  	p0 =	sne.s32 s1, $0x0;
	_ =	strace $0x9000004A  }
0x2f: {  	s0 =	sadd.s32 @!p0 $0x100000, s0;
	[bflag:$0x2] =	sbarrier.arrive $0xFFFF  }
0x30: {  	[sflag:s0] =	ssyncadd.tile.s32 @!p0 $0x1;
	_ =	shalt  }
.Lfunc_end2:
_tile_overlayer_lowered:
.L_overlay_start_2:
0x31: {  	(tag) =	ssettag $0x2  }
0x32: {  	s0 =	rddreg [dreg:$0x0];
	s2 =	stileid.u32  }
0x33: {  	s1 =	rddreg [dreg:$0x1];
	p0 =	sne.s32 s2, $0x0  }
0x34: {  	s3 =	rddreg [dreg:$0x2];
	[bflag:$0x3] =	sbarrier.arrive $0xFFFF;
	s2 =	simm.s32 @!p0 $0x1C01  }
0x35: {  	[timem:s3], [sflag:s2] =	dma.local @!p0 [hbm:s0], s1  }
0x36: {  	s0 =	simm.s32 @!p0 $0x1  }
0x37: {  	_ =	swait.ge @!p0 [sflag:s0], s1  }
0x38: {  	s1 =	ssub.s32 @!p0 $0x0, s1;
	[sflag:s0] =	ssyncset.done @!p0 $0x0  }
0x39: {  	[sflag:s0] =	ssyncadd.s32 @!p0 s1  }
0x3a: {  	[bflag:$0x3] =	sbarrier.arrive $0xFFFF  }
0x3b: {  	_ =	shalt  }

// kernel: gather_offload_async_start.2
scs
__scs_entry_jumppad:
0x0: {  	(pc) =	sbr.rel $0x88, $3  }
0x1: {  	(tag) =	ssettag $0x0;
	lr =	simm.s32 $0x1  }
0x2: {  	[smem:$0x3F9A] =	sst lr;
	_ =	strace $0xD0000000  }
0x3: {  	_ = 	snop  }
0x4: {  	_ = 	snop  }
0x5: {  	_ = 	snop  }
0x6: {  	_ = 	snop  }
0x7: {  	_ = 	snop  }
__scs_overlays_trampoline_lowered:
0x8: {  	[smem:$0x3FA9] =	sst s0  }
0x9: {  	[smem:$0x3FAA] =	sst s1  }
0xa: {  	[smem:$0x3FAB] =	sst s2  }
0xb: {  	[smem:$0x3FAC] =	sst s3  }
0xc: {  	[smem:$0x3FAD] =	sst s4  }
0xd: {  	[smem:$0x3FAE] =	sst s5  }
0xe: {  	[smem:$0x3FAF] =	sst s6  }
0xf: {  	[smem:$0x3FB0] =	sst s7  }
0x10: {  	[smem:$0x3FB1] =	sst s8  }
0x11: {  	[smem:$0x3FB2] =	sst s9;
	s0 =	simm.s32 @!p0 $0x0  }
0x12: {  	s1 =	sld [smem:$0x3F98];
	s0 =	simm.s32 @p0 $0x1  }
0x13: {  	[smem:$0x3FB3] =	sst s0;
	s0 =	simm.s32 @!p1 $0x0  }
0x14: {  	s2 =	sld [smem:$0x3F97];
	s0 =	simm.s32 @p1 $0x1  }
0x15: {  	[smem:$0x3FB4] =	sst s0;
	s0 =	simm.s32 @!p2 $0x0  }
0x16: {  	s3 =	sld [smem:$0x3FDB];
	s0 =	simm.s32 @p2 $0x1  }
0x17: {  	s4 =	simm.s32 $0x1BF5;
	[smem:$0x3FB6] =	sst s0  }
0x18: {  	s0 =	sld [smem:$0x3F99];
	_ =	swait.ge [sflag:s4], $0x0  }
0x19: {  	s7 =	sld [smem:$0x3F9A]  }
0x1a: {  	s8 =	sadd.s32 $0xFFFFE003, lr  }
0x1b: {  	s9 =	sadd.s32 $0xFFFFFEF7, lr;
	s5 =	simm.s32 $0xFFFFFFFF;
	p2 =	slt.u32 s8, $0xFFFFF086  }
0x1c: {  	p1 =	slt.u32 s9, $0xF7A;
	s5 =	simm.s32 @!p2 $0x0  }
0x1d: {  	s5 =	simm.s32 @p1 $0x1;
	p0 =	seq.s32 s7, s2  }
0x1e: {  	s7 =	smul.u32 @!p0 $0xF7A, s2;
	p2 =	seq.s32 @!p0 s5, $0x0  }
0x1f: {  	s9 =	smul.u32 $0xF7A, s1;
	s8 =	simm.s32 @!p0 $0x1BF5;
	p2 =	por !p2, p0  }
0x20: {  	[sflag:s8] =	ssyncset.s32 @!p0 $0xFFFFF086;
	s6 =	sadd.s32 @!p0 s3, s7;
	s7 =	simm.s32 @!p0 $0x108  }
0x21: {  	s3 =	sadd.s32 s3, s9;
	s6 =	sadd.s32 @!p0 $0x88, s6;
	s7 =	simm.s32 @p2 $0x1082  }
0x22: {  	[simem:s7], [sflag:s8] =	dma.local @!p0 [hbm:s6], $0xF7A  }
0x23: {  	s9 =	sor.u32 $0xD0000000, s2;
	s6 =	simm.s32 $0x108;
	_ =	swait.ge @!p0 [sflag:s8], $0x0  }
0x24: {  	s3 =	sadd.s32 $0x88, s3;
	s6 =	simm.s32 @!p1 $0x1082;
	[sflag:s4] =	ssyncset.s32 $0xFFFFF086  }
0x25: {  	[simem:s6], [sflag:s4] =	dma.local [hbm:s3], $0xF7A  }
0x26: {  	[smem:$0x3F9A] =	sst s1;
	(tag) =	ssettag s2;
	_ =	strace s9  }
0x27: {  	s1 =	sld [smem:$0x3FAA]  }
0x28: {  	s2 =	sld [smem:$0x3FAB]  }
0x29: {  	s4 =	sld [smem:$0x3FAD]  }
0x2a: {  	p0 =	seq.s32 s5, $0x0;
	s5 =	sld [smem:$0x3FAE]  }
0x2b: {  	s6 =	sld [smem:$0x3FAF]  }
0x2c: {  	s7 =	sld [smem:$0x3FB0]  }
0x2d: {  	s3 =	simm.s32 $0x108;
	s8 =	sld [smem:$0x3FB1]  }
0x2e: {  	s3 =	simm.s32 @!p0 $0x1082;
	s9 =	sld [smem:$0x3FB2]  }
0x2f: {  	lr =	sadd.s32 s0, s3;
	s0 =	sld [smem:$0x3FA9]  }
0x30: {  	s3 =	sld [smem:$0x3FAC]  }
0x31: {  	[smem:$0x3FB5] =	sst s10  }
0x32: {  	s10 =	sld [smem:$0x3FB3];
	_ =	sdelay $0x3  }
0x33: {  	p0 =	seq.s32 s10, $0x1;
	s10 =	sld [smem:$0x3FB5];
	_ =	sdelay $0x3  }
0x34: {  	[smem:$0x3FB5] =	sst s10  }
0x35: {  	s10 =	sld [smem:$0x3FB4];
	_ =	sdelay $0x3  }
0x36: {  	p1 =	seq.s32 s10, $0x1;
	s10 =	sld [smem:$0x3FB5];
	_ =	sdelay $0x3  }
0x37: {  	[smem:$0x3FB5] =	sst s10  }
0x38: {  	s10 =	sld [smem:$0x3FB6]  }
0x39: {  	_ = 	snop;
	(pc) =	sbr.ind lr, $3  }
0x3a: {  	_ = 	snop  }
0x3b: {  	_ = 	snop  }
0x3c: {  	p2 =	seq.s32 s10, $0x1;
	s10 =	sld [smem:$0x3FB5]  }
0x3d: {  	_ =	shalt  }
0x3e: {  	_ =	shalt  }
0x3f: {  	_ =	shalt  }
0x40: {  	_ =	shalt  }
0x41: {  	_ =	shalt  }
0x42: {  	_ =	shalt  }
0x43: {  	_ =	shalt  }
0x44: {  	_ =	shalt  }
0x45: {  	_ =	shalt  }
0x46: {  	_ =	shalt  }
0x47: {  	_ =	shalt  }
0x48: {  	_ =	shalt  }
0x49: {  	_ =	shalt  }
0x4a: {  	_ =	shalt  }
0x4b: {  	_ =	shalt  }
0x4c: {  	_ =	shalt  }
0x4d: {  	_ =	shalt  }
0x4e: {  	_ =	shalt  }
0x4f: {  	_ =	shalt  }
0x50: {  	_ =	shalt  }
0x51: {  	_ =	shalt  }
0x52: {  	_ =	shalt  }
0x53: {  	_ =	shalt  }
0x54: {  	_ =	shalt  }
0x55: {  	_ =	shalt  }
0x56: {  	_ =	shalt  }
0x57: {  	_ =	shalt  }
0x58: {  	_ =	shalt  }
0x59: {  	_ =	shalt  }
0x5a: {  	_ =	shalt  }
0x5b: {  	_ =	shalt  }
0x5c: {  	_ =	shalt  }
0x5d: {  	_ =	shalt  }
0x5e: {  	_ =	shalt  }
0x5f: {  	_ =	shalt  }
0x60: {  	_ =	shalt  }
0x61: {  	_ =	shalt  }
0x62: {  	_ =	shalt  }
0x63: {  	_ =	shalt  }
0x64: {  	_ =	shalt  }
0x65: {  	_ =	shalt  }
0x66: {  	_ =	shalt  }
0x67: {  	_ =	shalt  }
0x68: {  	_ =	shalt  }
0x69: {  	_ =	shalt  }
0x6a: {  	_ =	shalt  }
0x6b: {  	_ =	shalt  }
0x6c: {  	_ =	shalt  }
0x6d: {  	_ =	shalt  }
0x6e: {  	_ =	shalt  }
0x6f: {  	_ =	shalt  }
0x70: {  	_ =	shalt  }
0x71: {  	_ =	shalt  }
0x72: {  	_ =	shalt  }
0x73: {  	_ =	shalt  }
0x74: {  	_ =	shalt  }
0x75: {  	_ =	shalt  }
0x76: {  	_ =	shalt  }
0x77: {  	_ =	shalt  }
0x78: {  	_ =	shalt  }
0x79: {  	_ =	shalt  }
0x7a: {  	_ =	shalt  }
0x7b: {  	_ =	shalt  }
0x7c: {  	_ =	shalt  }
0x7d: {  	_ =	shalt  }
0x7e: {  	_ =	shalt  }
0x7f: {  	_ =	shalt  }
0x80: {  	_ =	shalt  }
0x81: {  	_ =	shalt  }
0x82: {  	_ =	shalt  }
0x83: {  	_ =	shalt  }
0x84: {  	_ =	shalt  }
0x85: {  	_ =	shalt  }
0x86: {  	_ =	shalt  }
0x87: {  	_ =	shalt  }
.Lfunc_end0:
.L_simem_size_0:
called_computation.2_lowered:
.L_overlay_start_0:
0x88: {  	s0 =	sld [smem:$0x3FD9]  }
0x89: {  	s1 =	sld [smem:$0x3FFE];
	_ =	sdelay $0x3  }
0x8a: {  	s0 =	sadd.s32 s1, s0  }
0x8b: {  	[smem:$0x3FC1] =	sst s0  }
0x8c: {  	_ = 	snop  }
0x8d: {  	s0 =	sld [smem:$0x3FC7]  }
0x8e: {  	s16 =	sld [smem:$0x3FD0];
	(tm) =	ssettm $0x1  }
0x8f: {  	s2 =	sld [smem:$0x3FFB];
	_ =	sdelay $0x3  }
0x90: {  	_ =	strace s2  }
0x91: {  	s2 =	sld [smem:$0x3FFC];
	_ =	sdelay $0x3  }
0x92: {  	_ =	strace s2  }
0x93: {  	s2 =	sld [smem:$0x3FFD];
	_ =	sdelay $0x3  }
0x94: {  	_ =	strace s2  }
0x95: {  	_ =	strace $0x8FFFFFFF  }
0x96: {  	s17 =	sld [smem:$0x3FDB];
	_ =	sdelay $0x1  }
0x97: {  	s3 =	simm.s32 $_scs_section_size  }
0x98: {  	s4 =	simm.s32 $_size__tile_overlayer_lowered;
	s5 =	simm.s32 $_tile_overlayer_lowered  }
0x99: {  	s20 =	simm.s32 $0x1BFF;
	s19 =	sshll.u32 s5, $0x1;
	s2 =	sadd.s32 s3, s17  }
0x9a: {  	s6 =	simm.s32 $0x0;
	s18 =	sshll.u32 s4, $0x1;
	s4 =	sadd.s32 s19, s2  }
0x9b: {  	[timem:s6], [sflag:s20] =	dma.local [hbm:s4], s18  }
0x9c: {  	_ =	swait.ge [sflag:s20], s18  }
0x9d: {  	s3 =	ssub.s32 $0x0, s18;
	[sflag:s20] =	ssyncset.done $0x0  }
0x9e: {  	[sflag:s20] =	ssyncadd.s32 s3;
	_ =	sdelay $0x1  }
0x9f: {  	s21 =	simm.s32 $0x1B8B  }
0xa0: {  	_ =	swait.ge [sflag:s21], $0x1  }
0xa1: {  	[sflag:s21] =	ssyncset.done $0x0  }
0xa2: {  	s23 =	simm.s32 $0x1B8E;
	s22 =	sld [smem:$0x3FFE];
	[sflag:s21] =	ssyncadd.s32 $0xFFFFFFFF  }
0xa3: {  	s24 =	simm.s32 $execute0_lowered;
	[smem:$0x3FD2] =	sst s23  }
0xa4: {  	s4 =	sshll.u32 s24, $0x1;
	_ =	strace $0x80000046;
	[dreg:$0x1] =	wrdreg $0xFFFFFFFF  }
0xa5: {  	s25 =	simm.s32 $_size_execute0_lowered;
	s2 =	sadd.s32 s2, s4;
	[dreg:$0x0] =	wrdreg $0x0  }
0xa6: {  	s4 =	sshll.u32 s25, $0x1;
	[dreg:$0x2] =	wrdreg s2  }
0xa7: {  	[dreg:$0x3] =	wrdreg s4  }
0xa8: {  	[dreg:$0x4] =	wrdreg $0xC0  }
0xa9: {  	_ =	task [dreg:s6], $0x5FFFF  }
0xaa: {  	[dreg:$0x1] =	wrdreg $0xFFFFFFFF  }
0xab: {  	[dreg:$0x0] =	wrdreg $0x60  }
0xac: {  	[dreg:$0x2] =	wrdreg s0  }
0xad: {  	[dreg:$0x3] =	wrdreg s16  }
0xae: {  	[dreg:$0x4] =	wrdreg s22  }
0xaf: {  	[dreg:$0x5] =	wrdreg $0xB  }
0xb0: {  	_ =	task.clear_ibuf [dreg:s6], $0x6FFFF;
	_ =	strace $0x90000046  }
0xb1: {  	s26 =	simm.s32 $0xB;
	_ =	strace $0x80000048  }
0xb2: {  	_ =	swait.ge [sflag:s26], $0x1  }
0xb3: {  	[sflag:s26] =	ssyncadd.s32 $0xFFFFFFFF  }
0xb4: {  	_ =	strace $0x90000048  }
0xb5: {  	_ =	sfence  }
0xb6: {  	s28 =	sld [smem:$0x0];
	_ =	sdelay $0x1  }
0xb7: {  	s29 =	srdreg.scid  }
0xb8: {  	s30 =	sshll.u32 s29, $0xD;
	s31 =	sshrl.u32 s29, $0x2  }
0xb9: {  	s1 =	sand.u32 $0x1, s29;
	s2 =	sand.u32 $0x4000, s30;
	s0 =	sadd.s32 s31, s28  }
0xba: {  	s1 =	sor.u32 s2, s1;
	s0 =	sshll.u32 s0, $0x11  }
0xbb: {  	s0 =	sor.u32 s0, s1  }
0xbc: {  	s0 =	sadd.s32 $0x8F2B, s0  }
0xbd: {  	[sflag:s0] =	ssyncadd.remote.s32 $0x1  }
0xbe: {  	_ =	sfence.sel $0xFFFF  }
0xbf: {  	[dreg:$0x0] =	wrdreg $0xFFFFFFFF;
	(pc) =	sbr.abs _section_cstart, $3  }
0xc0: {  	[dreg:$0x1] =	wrdreg $0xFFFFFFFF  }
0xc1: {  	_ =	task.clear_ibuf [dreg:s6], $0x2FFFF;
	_ =	strace $0x9FFFFFFF  }
0xc2: {  	(tm) =	ssettm $0x7FFFFFFF  }
0xc3: {  	_ =	shalt  }
tec
execute0_lowered:
.L_overlay_start_1:
0x0: {  	(tag) =	ssettag $0x1  }
0x1: {  	s2 =	rddreg [dreg:$0x0]  }
0x2: {  	s3 =	rddreg [dreg:$0x1]  }
0x3: {  	s4 =	rddreg [dreg:$0x2];
	s1 =	stileid.u32  }
0x4: {  	s0 =	rddreg [dreg:$0x3];
	_ =	strace $0x80000047;
	s6 =	simm.s32 $0x1  }
0x5: {  	s8 =	simm.s32 $0x2;
	s30 =	simm.s32 $0x3;
	s5 =	sshll.u32 s1, $0x4  }
0x6: {  	s12 =	simm.s32 $0x0;
	s9 =	simm.s32 $0x0;
	s7 =	ssub.s32 $0x1380, s5  }
0x7: {  	s10 =	simm.s32 $0x0;
	[sflag:s6] =	ssyncpa.u1 $0x0;
	s6 =	sshrl.u32 s7, $0x8  }
0x8: {  	[sflag:s8] =	ssyncpa.u1 $0x0;
	s11 =	smov.u32 s5;
	s31 =	sshll.u32 s6, $0x4  }
0x9: {  	[sflag:s30] =	ssyncpa.u1 $0x0;
	s7 =	sadd.s32 $0x2, s6;
	s8 =	sadd.s32 $0x30, s31  }
.LBB2_1:
0xa: {  	p0 =	sgt.u32 s10, s6  }
0xb: {  	s13 =	sxor.u32 @!p0 $0xFFFFFFFF, s9;
	s14 =	sshrl.u32 @!p0 s11, $0x3  }
0xc: {  	s15 =	sand.u32 @!p0 $0x7, s11;
	s13 =	sand.u32 @!p0 $0x10, s13;
	s14 =	sadd.s32 @!p0 s3, s14  }
0xd: {  	[tilespmem:s13], [sflag:$0x2] =	stream.linear.gather @!p0 [hbm4b:s14+s15], $0x10, $0x38;
	[tilespmem:$0x40] =	vst v63  }
0xe: {  	p0 =	seq.s32 s9, $0x0  }
0xf: {  	p1 =	sge.u32 @!p0 s10, s7  }
0x10: {  	p0 =	por p1, p0  }
0x11: {  	s13 =	simm.s32 @!p0 $0x2  }
0x12: {  	_ =	swait.ge @!p0 [sflag:s13], $0x10  }
0x13: {  	[sflag:s13] =	ssyncset.done @!p0 $0x0  }
0x14: {  	[sflag:s13] =	ssyncadd.s32 @!p0 $0xFFFFFFF0;
	s13 =	sand.u32 @!p0 $0x10, s9  }
0x15: {  	(ifvalue) =	ssetifvalue @!p0 $0x7FFFFFFF;
	v0 =	vld.msk @!p0 [tilespmem:s13+$0x0 ss:$0x1], $0xffff;
	_ =	sdelay $0x4  }
0x16: {  	vm0 =	vgt.s32 @!p0 v0, $0x0  }
0x17: {  	v0 =	vnsel @!p0 vm0, $0x0, v0  }
0x18: {  	v0 =	vmin.u32 @!p0 v0, $0x1387;
	_ =	sdelay $0x3  }
0x19: {  	s14 =	simm.s32 @!p0 $0x0;
	s13 =	sor.u32 @!p0 $0x20, s13;
	(ifvalue) =	ssetifvalue @!p0 $0x7FFFFFFF;
	vm0 =	vmmov @!p0 $0xffff  }
0x1a: {  	[tilespmem:s13], [sflag:$0x1] =	stream.indirect_vreg.gather @!p0 [hbm4b:s2+s14], $0x1, v0, vm0, $0x4038;
	[tilespmem:$0x40] =	vst v63  }
0x1b: {  	s14 =	simm.s32 @!p0 $0x1  }
0x1c: {  	_ =	swait.ge @!p0 [sflag:s14], $0x10  }
0x1d: {  	s15 =	sshrl.u32 @!p0 s12, $0x3;
	[sflag:s14] =	ssyncset.done @!p0 $0x0  }
0x1e: {  	s12 =	sand.u32 @!p0 $0x7, s12;
	[sflag:s14] =	ssyncadd.s32 @!p0 $0xFFFFFFF0;
	s14 =	sadd.s32 @!p0 s4, s15  }
0x1f: {  	[hbm4b:s14+s12] =	stream.linear.scatter @!p0 [tilespmem:s13], [sflag:$0x3], $0x10, $0x38;
	[tilespmem:$0x40] =	vst v63  }
0x20: {  	s14 =	sadd.s32 $0x100, s11  }
0x21: {  	s9 =	sadd.s32 $0x10, s9;
	p1 =	sgt.s32 s14, $0x1387  }
0x22: {  	s14 =	smov.u32 @p1 s5;
	p1 =	sne.s32 s8, s9  }
.Ltmp0:
0x23: {  	p0 =	slt.u32 s10, $0x2;
	(pc) =	sbr.rel @p1 .LBB2_1-.Ltmp0, $4  }
0x24: {  	s13 =	simm.s32 @!p0 $0x3  }
0x25: {  	_ =	swait.ge @!p0 [sflag:s13], $0x10  }
0x26: {  	s12 =	smov.u32 s11;
	[sflag:s13] =	ssyncset.done @!p0 $0x0  }
0x27: {  	s10 =	sadd.s32 $0x1, s10;
	s11 =	smov.u32 s14;
	[sflag:s13] =	ssyncadd.s32 @!p0 $0xFFFFFFF0  }
0x28: {  	_ =	sfence.sel $0x180000  }
0x29: {  	s2 =	simm.s32 $0x2;
	[bflag:$0x0] =	sbarrier.arrive $0xFFFF  }
0x2a: {  	s30 =	simm.s32 $0x3;
	[sflag:s2] =	ssyncpa.u1 $0x1  }
0x2b: {  	s31 =	simm.s32 $0x1;
	[sflag:s30] =	ssyncpa.u1 $0x1  }
0x2c: {  	[sflag:s31] =	ssyncpa.u1 $0x1  }
0x2d: {  	p0 =	sne.s32 s1, $0x0;
	_ =	strace $0x90000047  }
0x2e: {  	s0 =	sadd.s32 @!p0 $0x100000, s0;
	[bflag:$0x2] =	sbarrier.arrive $0xFFFF  }
0x2f: {  	[sflag:s0] =	ssyncadd.tile.s32 @!p0 $0x1;
	_ =	shalt  }
.Lfunc_end2:
_tile_overlayer_lowered:
.L_overlay_start_2:
0x30: {  	(tag) =	ssettag $0x2  }
0x31: {  	s0 =	rddreg [dreg:$0x0];
	s2 =	stileid.u32  }
0x32: {  	s1 =	rddreg [dreg:$0x1];
	p0 =	sne.s32 s2, $0x0  }
0x33: {  	s3 =	rddreg [dreg:$0x2];
	[bflag:$0x3] =	sbarrier.arrive $0xFFFF;
	s2 =	simm.s32 @!p0 $0x1C01  }
0x34: {  	[timem:s3], [sflag:s2] =	dma.local @!p0 [hbm:s0], s1  }
0x35: {  	s0 =	simm.s32 @!p0 $0x1  }
0x36: {  	_ =	swait.ge @!p0 [sflag:s0], s1  }
0x37: {  	s1 =	ssub.s32 @!p0 $0x0, s1;
	[sflag:s0] =	ssyncset.done @!p0 $0x0  }
0x38: {  	[sflag:s0] =	ssyncadd.s32 @!p0 s1  }
0x39: {  	[bflag:$0x3] =	sbarrier.arrive $0xFFFF  }
0x3a: {  	_ =	shalt  }

// kernel: gather_offload_async_start
scs
__scs_entry_jumppad:
0x0: {  	(pc) =	sbr.rel $0x88, $3  }
0x1: {  	(tag) =	ssettag $0x0;
	lr =	simm.s32 $0x1  }
0x2: {  	[smem:$0x3F9A] =	sst lr;
	_ =	strace $0xD0000000  }
0x3: {  	_ = 	snop  }
0x4: {  	_ = 	snop  }
0x5: {  	_ = 	snop  }
0x6: {  	_ = 	snop  }
0x7: {  	_ = 	snop  }
__scs_overlays_trampoline_lowered:
0x8: {  	[smem:$0x3FA9] =	sst s0  }
0x9: {  	[smem:$0x3FAA] =	sst s1  }
0xa: {  	[smem:$0x3FAB] =	sst s2  }
0xb: {  	[smem:$0x3FAC] =	sst s3  }
0xc: {  	[smem:$0x3FAD] =	sst s4  }
0xd: {  	[smem:$0x3FAE] =	sst s5  }
0xe: {  	[smem:$0x3FAF] =	sst s6  }
0xf: {  	[smem:$0x3FB0] =	sst s7  }
0x10: {  	[smem:$0x3FB1] =	sst s8  }
0x11: {  	[smem:$0x3FB2] =	sst s9;
	s0 =	simm.s32 @!p0 $0x0  }
0x12: {  	s1 =	sld [smem:$0x3F98];
	s0 =	simm.s32 @p0 $0x1  }
0x13: {  	[smem:$0x3FB3] =	sst s0;
	s0 =	simm.s32 @!p1 $0x0  }
0x14: {  	s2 =	sld [smem:$0x3F97];
	s0 =	simm.s32 @p1 $0x1  }
0x15: {  	[smem:$0x3FB4] =	sst s0;
	s0 =	simm.s32 @!p2 $0x0  }
0x16: {  	s3 =	sld [smem:$0x3FDB];
	s0 =	simm.s32 @p2 $0x1  }
0x17: {  	s4 =	simm.s32 $0x1BF5;
	[smem:$0x3FB6] =	sst s0  }
0x18: {  	s0 =	sld [smem:$0x3F99];
	_ =	swait.ge [sflag:s4], $0x0  }
0x19: {  	s7 =	sld [smem:$0x3F9A]  }
0x1a: {  	s8 =	sadd.s32 $0xFFFFE003, lr  }
0x1b: {  	s9 =	sadd.s32 $0xFFFFFEF7, lr;
	s5 =	simm.s32 $0xFFFFFFFF;
	p2 =	slt.u32 s8, $0xFFFFF086  }
0x1c: {  	p1 =	slt.u32 s9, $0xF7A;
	s5 =	simm.s32 @!p2 $0x0  }
0x1d: {  	s5 =	simm.s32 @p1 $0x1;
	p0 =	seq.s32 s7, s2  }
0x1e: {  	s7 =	smul.u32 @!p0 $0xF7A, s2;
	p2 =	seq.s32 @!p0 s5, $0x0  }
0x1f: {  	s9 =	smul.u32 $0xF7A, s1;
	s8 =	simm.s32 @!p0 $0x1BF5;
	p2 =	por !p2, p0  }
0x20: {  	[sflag:s8] =	ssyncset.s32 @!p0 $0xFFFFF086;
	s6 =	sadd.s32 @!p0 s3, s7;
	s7 =	simm.s32 @!p0 $0x108  }
0x21: {  	s3 =	sadd.s32 s3, s9;
	s6 =	sadd.s32 @!p0 $0x88, s6;
	s7 =	simm.s32 @p2 $0x1082  }
0x22: {  	[simem:s7], [sflag:s8] =	dma.local @!p0 [hbm:s6], $0xF7A  }
0x23: {  	s9 =	sor.u32 $0xD0000000, s2;
	s6 =	simm.s32 $0x108;
	_ =	swait.ge @!p0 [sflag:s8], $0x0  }
0x24: {  	s3 =	sadd.s32 $0x88, s3;
	s6 =	simm.s32 @!p1 $0x1082;
	[sflag:s4] =	ssyncset.s32 $0xFFFFF086  }
0x25: {  	[simem:s6], [sflag:s4] =	dma.local [hbm:s3], $0xF7A  }
0x26: {  	[smem:$0x3F9A] =	sst s1;
	(tag) =	ssettag s2;
	_ =	strace s9  }
0x27: {  	s1 =	sld [smem:$0x3FAA]  }
0x28: {  	s2 =	sld [smem:$0x3FAB]  }
0x29: {  	s4 =	sld [smem:$0x3FAD]  }
0x2a: {  	p0 =	seq.s32 s5, $0x0;
	s5 =	sld [smem:$0x3FAE]  }
0x2b: {  	s6 =	sld [smem:$0x3FAF]  }
0x2c: {  	s7 =	sld [smem:$0x3FB0]  }
0x2d: {  	s3 =	simm.s32 $0x108;
	s8 =	sld [smem:$0x3FB1]  }
0x2e: {  	s3 =	simm.s32 @!p0 $0x1082;
	s9 =	sld [smem:$0x3FB2]  }
0x2f: {  	lr =	sadd.s32 s0, s3;
	s0 =	sld [smem:$0x3FA9]  }
0x30: {  	s3 =	sld [smem:$0x3FAC]  }
0x31: {  	[smem:$0x3FB5] =	sst s10  }
0x32: {  	s10 =	sld [smem:$0x3FB3];
	_ =	sdelay $0x3  }
0x33: {  	p0 =	seq.s32 s10, $0x1;
	s10 =	sld [smem:$0x3FB5];
	_ =	sdelay $0x3  }
0x34: {  	[smem:$0x3FB5] =	sst s10  }
0x35: {  	s10 =	sld [smem:$0x3FB4];
	_ =	sdelay $0x3  }
0x36: {  	p1 =	seq.s32 s10, $0x1;
	s10 =	sld [smem:$0x3FB5];
	_ =	sdelay $0x3  }
0x37: {  	[smem:$0x3FB5] =	sst s10  }
0x38: {  	s10 =	sld [smem:$0x3FB6]  }
0x39: {  	_ = 	snop;
	(pc) =	sbr.ind lr, $3  }
0x3a: {  	_ = 	snop  }
0x3b: {  	_ = 	snop  }
0x3c: {  	p2 =	seq.s32 s10, $0x1;
	s10 =	sld [smem:$0x3FB5]  }
0x3d: {  	_ =	shalt  }
0x3e: {  	_ =	shalt  }
0x3f: {  	_ =	shalt  }
0x40: {  	_ =	shalt  }
0x41: {  	_ =	shalt  }
0x42: {  	_ =	shalt  }
0x43: {  	_ =	shalt  }
0x44: {  	_ =	shalt  }
0x45: {  	_ =	shalt  }
0x46: {  	_ =	shalt  }
0x47: {  	_ =	shalt  }
0x48: {  	_ =	shalt  }
0x49: {  	_ =	shalt  }
0x4a: {  	_ =	shalt  }
0x4b: {  	_ =	shalt  }
0x4c: {  	_ =	shalt  }
0x4d: {  	_ =	shalt  }
0x4e: {  	_ =	shalt  }
0x4f: {  	_ =	shalt  }
0x50: {  	_ =	shalt  }
0x51: {  	_ =	shalt  }
0x52: {  	_ =	shalt  }
0x53: {  	_ =	shalt  }
0x54: {  	_ =	shalt  }
0x55: {  	_ =	shalt  }
0x56: {  	_ =	shalt  }
0x57: {  	_ =	shalt  }
0x58: {  	_ =	shalt  }
0x59: {  	_ =	shalt  }
0x5a: {  	_ =	shalt  }
0x5b: {  	_ =	shalt  }
0x5c: {  	_ =	shalt  }
0x5d: {  	_ =	shalt  }
0x5e: {  	_ =	shalt  }
0x5f: {  	_ =	shalt  }
0x60: {  	_ =	shalt  }
0x61: {  	_ =	shalt  }
0x62: {  	_ =	shalt  }
0x63: {  	_ =	shalt  }
0x64: {  	_ =	shalt  }
0x65: {  	_ =	shalt  }
0x66: {  	_ =	shalt  }
0x67: {  	_ =	shalt  }
0x68: {  	_ =	shalt  }
0x69: {  	_ =	shalt  }
0x6a: {  	_ =	shalt  }
0x6b: {  	_ =	shalt  }
0x6c: {  	_ =	shalt  }
0x6d: {  	_ =	shalt  }
0x6e: {  	_ =	shalt  }
0x6f: {  	_ =	shalt  }
0x70: {  	_ =	shalt  }
0x71: {  	_ =	shalt  }
0x72: {  	_ =	shalt  }
0x73: {  	_ =	shalt  }
0x74: {  	_ =	shalt  }
0x75: {  	_ =	shalt  }
0x76: {  	_ =	shalt  }
0x77: {  	_ =	shalt  }
0x78: {  	_ =	shalt  }
0x79: {  	_ =	shalt  }
0x7a: {  	_ =	shalt  }
0x7b: {  	_ =	shalt  }
0x7c: {  	_ =	shalt  }
0x7d: {  	_ =	shalt  }
0x7e: {  	_ =	shalt  }
0x7f: {  	_ =	shalt  }
0x80: {  	_ =	shalt  }
0x81: {  	_ =	shalt  }
0x82: {  	_ =	shalt  }
0x83: {  	_ =	shalt  }
0x84: {  	_ =	shalt  }
0x85: {  	_ =	shalt  }
0x86: {  	_ =	shalt  }
0x87: {  	_ =	shalt  }
.Lfunc_end0:
.L_simem_size_0:
called_computation_lowered:
.L_overlay_start_0:
0x88: {  	s0 =	sld [smem:$0x3FD9]  }
0x89: {  	s1 =	sld [smem:$0x3FFE];
	_ =	sdelay $0x3  }
0x8a: {  	s0 =	sadd.s32 s1, s0  }
0x8b: {  	[smem:$0x3FC1] =	sst s0  }
0x8c: {  	_ = 	snop  }
0x8d: {  	s0 =	sld [smem:$0x3FD0];
	(tm) =	ssettm $0x1  }
0x8e: {  	s16 =	sld [smem:$0x3FFB];
	_ =	sdelay $0x3  }
0x8f: {  	_ =	strace s16  }
0x90: {  	s1 =	sld [smem:$0x3FFC];
	_ =	sdelay $0x3  }
0x91: {  	_ =	strace s1  }
0x92: {  	s1 =	sld [smem:$0x3FFD];
	_ =	sdelay $0x3  }
0x93: {  	_ =	strace s1  }
0x94: {  	_ =	strace $0x8FFFFFFF  }
0x95: {  	s17 =	sld [smem:$0x3FDB];
	_ =	sdelay $0x1  }
0x96: {  	s2 =	simm.s32 $_scs_section_size  }
0x97: {  	s3 =	simm.s32 $_size__tile_overlayer_lowered;
	s4 =	simm.s32 $_tile_overlayer_lowered  }
0x98: {  	s20 =	simm.s32 $0x1BFF;
	s19 =	sshll.u32 s4, $0x1;
	s1 =	sadd.s32 s2, s17  }
0x99: {  	s5 =	simm.s32 $0x0;
	s18 =	sshll.u32 s3, $0x1;
	s3 =	sadd.s32 s19, s1  }
0x9a: {  	[timem:s5], [sflag:s20] =	dma.local [hbm:s3], s18  }
0x9b: {  	_ =	swait.ge [sflag:s20], s18  }
0x9c: {  	s2 =	ssub.s32 $0x0, s18;
	[sflag:s20] =	ssyncset.done $0x0  }
0x9d: {  	[sflag:s20] =	ssyncadd.s32 s2;
	_ =	sdelay $0x1  }
0x9e: {  	s21 =	simm.s32 $0x1B8B  }
0x9f: {  	_ =	swait.ge [sflag:s21], $0x1  }
0xa0: {  	[sflag:s21] =	ssyncset.done $0x0  }
0xa1: {  	s23 =	simm.s32 $0x1B8E;
	s22 =	sld [smem:$0x3FFE];
	[sflag:s21] =	ssyncadd.s32 $0xFFFFFFFF  }
0xa2: {  	s24 =	simm.s32 $execute0_lowered;
	[smem:$0x3FD2] =	sst s23  }
0xa3: {  	s3 =	sshll.u32 s24, $0x1;
	_ =	strace $0x8000004C;
	[dreg:$0x1] =	wrdreg $0xFFFFFFFF  }
0xa4: {  	s25 =	simm.s32 $_size_execute0_lowered;
	s1 =	sadd.s32 s1, s3;
	[dreg:$0x0] =	wrdreg $0x0  }
0xa5: {  	s3 =	sshll.u32 s25, $0x1;
	[dreg:$0x2] =	wrdreg s1  }
0xa6: {  	[dreg:$0x3] =	wrdreg s3  }
0xa7: {  	[dreg:$0x4] =	wrdreg $0xC0  }
0xa8: {  	_ =	task [dreg:s5], $0x5FFFF  }
0xa9: {  	[dreg:$0x1] =	wrdreg $0xFFFFFFFF  }
0xaa: {  	[dreg:$0x0] =	wrdreg $0x60  }
0xab: {  	[dreg:$0x2] =	wrdreg s22  }
0xac: {  	[dreg:$0x3] =	wrdreg s0  }
0xad: {  	[dreg:$0x4] =	wrdreg $0x9  }
0xae: {  	_ =	task.clear_ibuf [dreg:s5], $0x5FFFF;
	_ =	strace $0x9000004C  }
0xaf: {  	s26 =	simm.s32 $0x9;
	_ =	strace $0x8000004E  }
0xb0: {  	_ =	swait.ge [sflag:s26], $0x1  }
0xb1: {  	[sflag:s26] =	ssyncadd.s32 $0xFFFFFFFF  }
0xb2: {  	_ =	strace $0x9000004E  }
0xb3: {  	_ =	sfence  }
0xb4: {  	s28 =	sld [smem:$0x0];
	_ =	sdelay $0x1  }
0xb5: {  	s29 =	srdreg.scid  }
0xb6: {  	s30 =	sshll.u32 s29, $0xD;
	s31 =	sshrl.u32 s29, $0x2  }
0xb7: {  	s2 =	sand.u32 $0x4000, s30;
	s1 =	sand.u32 $0x1, s29;
	s0 =	sadd.s32 s31, s28  }
0xb8: {  	s1 =	sor.u32 s2, s1;
	s0 =	sshll.u32 s0, $0x11  }
0xb9: {  	s0 =	sor.u32 s0, s1  }
0xba: {  	s0 =	sadd.s32 $0x8F2B, s0  }
0xbb: {  	[sflag:s0] =	ssyncadd.remote.s32 $0x1  }
0xbc: {  	_ =	sfence.sel $0xFFFF  }
0xbd: {  	[dreg:$0x0] =	wrdreg $0xFFFFFFFF;
	(pc) =	sbr.abs _section_cstart, $3  }
0xbe: {  	[dreg:$0x1] =	wrdreg $0xFFFFFFFF  }
0xbf: {  	_ =	task.clear_ibuf [dreg:s5], $0x2FFFF;
	_ =	strace $0x9FFFFFFF  }
0xc0: {  	(tm) =	ssettm $0x7FFFFFFF  }
0xc1: {  	_ =	shalt  }
tec
execute0_lowered:
.L_overlay_start_1:
0x0: {  	(tag) =	ssettag $0x1  }
0x1: {  	s0 =	stileid.u32  }
0x2: {  	s1 =	smin.u32 s0, $0x9  }
0x3: {  	s1 =	sadd.s32 s0, s1  }
0x4: {  	s2 =	simm.s32 $0x190;
	p0 =	slt.u32 s0, $0x9;
	s1 =	smul.u32 $0xC8, s1  }
0x5: {  	s2 =	simm.s32 @!p0 $0xC8  }
0x6: {  	s2 =	sadd.s32 s2, s1  }
0x7: {  	s3 =	smin.u32 s2, $0x1388  }
0x8: {  	s7 =	ssub.s32 s3, s1  }
0x9: {  	p0 =	sgt.s32 s7, $0x0  }
0xa: {  	s7 =	simm.s32 @!p0 $0x0  }
0xb: {  	s31 =	sand.u32 $0xFFF8, s7  }
0xc: {  	s2 =	sshrl.u32 s31, $0x3  }
0xd: {  	s9 =	rddreg [dreg:$0x0];
	s2 =	smul.u32 $0x147B, s2  }
0xe: {  	s4 =	rddreg [dreg:$0x1];
	s6 =	simm.s32 $0x1  }
0xf: {  	s11 =	simm.s32 $0x3;
	s13 =	simm.s32 $0x0;
	s8 =	sshrl.u32 s2, $0x11  }
0x10: {  	s12 =	simm.s32 $0x0;
	s5 =	sadd.s32 $0x800, s9;
	s10 =	smul.u32 $0xC8, s8  }
.Ltmp0:
0x11: {  	s9 =	sadd.s32 $0x14200, s9;
	s2 =	rddreg [dreg:$0x2];
	(pc) =	sbr.rel .LBB2_1-.Ltmp0, $4  }
0x12: {  	_ =	strace $0x8000004D;
	p0 =	sne.s32 s7, s10;
	s10 =	simm.s32 $0x1  }
0x13: {  	[sflag:s6] =	ssyncpa.u1 $0x0;
	s7 =	simm.s32 $0x2;
	s10 =	simm.s32 @!p0 $0x0  }
0x14: {  	[sflag:s7] =	ssyncpa.u1 $0x0;
	p0 =	por $0x0, $0x0;
	s8 =	sadd.s32 s8, s10  }
0x15: {  	vm0 =	vmmov $0xff;
	vm1 =	vcmask $0x3F20;
	[sflag:s11] =	ssyncpa.u1 $0x0;
	s11 =	smov.u32 s1;
	s10 =	sadd.s32 $0x1, s8  }
.LBB2_6:
0x16: {  	[hbm:s17] =	stream.linear.scatter [tilespmem:s14], [sflag:$0x3], $0x400, $0x38;
	[tilespmem:$0xC990] =	vst v63  }
.LBB2_7:
0x17: {  	s13 =	sadd.s32 $0xC8, s11  }
0x18: {  	s15 =	smov.u32 s1;
	p2 =	slt.s32 s13, s3  }
0x19: {  	s15 =	smov.u32 @p2 s13;
	p2 =	sne.s32 s12, s10  }
.Ltmp1:
0x1a: {  	p1 =	slt.u32 s12, $0x2;
	(pc) =	sbr.rel @!p2 .LBB2_8-.Ltmp1, $4  }
0x1b: {  	s14 =	simm.s32 @!p1 $0x3  }
0x1c: {  	s16 =	sadd.s32 $0x1, s12;
	_ =	swait.ge @!p1 [sflag:s14], $0x6400  }
0x1d: {  	p0 =	por !p0, !p0;
	s13 =	smov.u32 s11;
	[sflag:s14] =	ssyncset.done @!p1 $0x0  }
0x1e: {  	s12 =	smov.u32 s16;
	s11 =	smov.u32 s15;
	[sflag:s14] =	ssyncadd.s32 @!p1 $0xFFFF9C00  }
.LBB2_1:
0x1f: {  	p1 =	sge.u32 s12, s8  }
0x20: {  	s14 =	sxor.u32 @!p1 $0xFFFFFFFF, s12  }
0x21: {  	s14 =	sand.u32 @!p1 $0x1, s14  }
0x22: {  	s14 =	smul.u32 @!p1 $0x320, s14  }
0x23: {  	s31 =	sadd.s32 $0xFFFFFFFF, s12;
	s15 =	sshrl.u32 @!p1 s11, $0x3  }
0x24: {  	s16 =	sand.u32 @!p1 $0x7, s11;
	s15 =	sadd.s32 @!p1 s4, s15;
	s14 =	sshrl.u32 @!p1 s14, $0x2  }
0x25: {  	[tilespmem:s14], [sflag:$0x2] =	stream.linear.gather @!p1 [hbm4b:s15+s16], $0xC8, $0x38;
	[tilespmem:$0xC990] =	vst v63  }
0x26: {  	p1 =	sge.u32 s31, s8  }
.Ltmp2:
0x27: {  	_ = 	snop;
	(pc) =	sbr.rel @p1 .LBB2_7-.Ltmp2, $1  }
0x28: {  	_ =	sdelay $0x3  }
0x29: {  	s14 =	simm.s32 $0x1  }
0x2a: {  	s14 =	simm.s32 @!p0 $0x0  }
0x2b: {  	s15 =	smul.u32 $0x320, s14  }
0x2c: {  	_ =	swait.ge [sflag:s7], $0xC8  }
0x2d: {  	[sflag:s7] =	ssyncset.done $0x0;
	s16 =	sshrl.u32 s15, $0x2  }
0x2e: {  	[sflag:s7] =	ssyncadd.s32 $0xFFFFFF38;
	s15 =	sadd.s32 $0x0, s16  }
0x2f: {  	v0 =	vld.msk [tilespmem:s15+$0x0 ss:$0x1], $0xffff;
	_ =	sdelay $0x4  }
0x30: {  	vm2 =	vgt.s32 v0, $0x0  }
0x31: {  	v0 =	vnsel vm2, $0x0, v0  }
0x32: {  	v0 =	vmin.u32 v0, $0x1387  }
0x33: {  	v0 =	vshll.u32 v0, $0x4  }
0x34: {  	s14 =	smul.u32 $0x19000, s14  }
0x35: {  	s31 =	sand.u32 $0x1, s12  }
0x36: {  	s17 =	smul.u32 $0x320, s31;
	s14 =	sshrl.u32 s14, $0x2  }
0x37: {  	s19 =	smul.u32 $0x19000, s31;
	s14 =	sor.u32 $0x190, s14  }
0x38: {  	[tilespmem:s14], [sflag:$0x1] =	stream.indirect_vreg.gather [hbm:s5], $0x80, v0, vm0, $0x38;
	[tilespmem:$0xC990] =	vst v63  }
0x39: {  	s18 =	sshrl.u32 s17, $0x2;
	s20 =	sadd.s32 $0x10, s16;
	s15 =	sadd.s32 $0x400, s14  }
0x3a: {  	[tilespmem:s15], [sflag:$0x1] =	stream.indirect_vreg.gather [hbm:s5], $0x80, v0, vm1, $0x38;
	[tilespmem:$0xC990] =	vst v63  }
0x3b: {  	s17 =	sshrl.u32 s19, $0x2;
	s19 =	smov.u32 s14;
	v0 =	vld.msk [tilespmem:s20+$0x0 ss:$0x1], $0xffff;
	s20 =	simm.s32 $0x80  }
.LBB2_3:
0x3c: {  	p1 =	sne.s32 s20, $0x2C0;
	_ =	sdelay $0x4  }
0x3d: {  	vm2 =	vgt.s32 v0, $0x0  }
0x3e: {  	v0 =	vnsel vm2, $0x0, v0  }
0x3f: {  	v0 =	vmin.u32 v0, $0x1387  }
0x40: {  	v0 =	vshll.u32 v0, $0x4;
	_ =	sdelay $0x3  }
.Ltmp3:
0x41: {  	s21 =	sshra.s32 s20, $0x2;
	s19 =	sadd.s32 $0x800, s19;
	(pc) =	sbr.rel @p1 .LBB2_3-.Ltmp3, $4  }
0x42: {  	[tilespmem:s19], [sflag:$0x1] =	stream.indirect_vreg.gather [hbm:s5], $0x80, v0, vm0, $0x38;
	[tilespmem:$0xC990] =	vst v63  }
0x43: {  	s21 =	sadd.s32 s21, s16;
	s22 =	sadd.s32 $0x400, s19  }
0x44: {  	[tilespmem:s22], [sflag:$0x1] =	stream.indirect_vreg.gather [hbm:s5], $0x80, v0, vm1, $0x38;
	[tilespmem:$0xC990] =	vst v63  }
0x45: {  	s20 =	sadd.s32 $0x40, s20;
	v0 =	vld.msk [tilespmem:s21+$0x0 ss:$0x1], $0xffff  }
0x46: {  	_ =	sdelay $0x3  }
0x47: {  	vm2 =	vgt.s32 v0, $0x0  }
0x48: {  	v0 =	vnsel vm2, $0x0, v0  }
0x49: {  	v0 =	vmin.u32 v0, $0x1387  }
0x4a: {  	v0 =	vshll.u32 v0, $0x4;
	_ =	sdelay $0x3  }
0x4b: {  	s16 =	sadd.s32 $0x800, s19  }
0x4c: {  	[tilespmem:s16], [sflag:$0x1] =	stream.indirect_vreg.gather [hbm:s5], $0x80, v0, vm0, $0x38;
	[tilespmem:$0xC990] =	vst v63  }
0x4d: {  	s16 =	sadd.s32 $0x400, s16  }
0x4e: {  	[tilespmem:s16], [sflag:$0x1] =	stream.indirect_vreg.gather [hbm:s5], $0x80, v0, vm1, $0x38;
	[tilespmem:$0xC990] =	vst v63  }
0x4f: {  	v0 =	vld.msk [tilespmem:s18+$0xC0 ss:$0x1], $0xff;
	_ =	sdelay $0x4  }
0x50: {  	vm2 =	vgt.s32 v0, $0x0  }
0x51: {  	v0 =	vnsel vm2, $0x0, v0  }
0x52: {  	v0 =	vmin.u32 v0, $0x1387  }
0x53: {  	v0 =	vshll.u32 v0, $0x4;
	_ =	sdelay $0x3  }
0x54: {  	s31 =	sadd.s32 $0x6190, s17  }
0x55: {  	[tilespmem:s31], [sflag:$0x1] =	stream.indirect_vreg.gather [hbm:s5], $0x80, v0, vm0, $0x38;
	[tilespmem:$0xC990] =	vst v63  }
0x56: {  	s13 =	sshll.u32 s13, $0x4;
	_ =	swait.ge [sflag:s6], $0x6400  }
0x57: {  	s13 =	sadd.s32 s13, s9;
	[sflag:s6] =	ssyncset.done $0x0  }
0x58: {  	s17 =	sadd.s32 $0x0, s13;
	s16 =	simm.s32 $0x80;
	[sflag:s6] =	ssyncadd.s32 $0xFFFF9C00  }
.LBB2_5:
0x59: {  	[hbm:s17] =	stream.linear.scatter [tilespmem:s14], [sflag:$0x3], $0x400, $0x38;
	[tilespmem:$0xC990] =	vst v63  }
0x5a: {  	s17 =	smov.u32 s16;
	s14 =	smov.u32 s15;
	p1 =	sne.s32 s16, $0xC00  }
.Ltmp4:
0x5b: {  	s16 =	sadd.s32 $0x80, s16;
	(pc) =	sbr.rel @p1 .LBB2_5-.Ltmp4, $2  }
0x5c: {  	_ =	sdelay $0x2  }
0x5d: {  	s15 =	sadd.s32 $0x400, s15;
	s17 =	sadd.s32 s17, s13  }
.Ltmp5:
0x5e: {  	_ = 	snop;
	(pc) =	sbr.rel .LBB2_6-.Ltmp5, $1  }
0x5f: {  	_ =	sdelay $0x3  }
.LBB2_8:
0x60: {  	_ =	sfence.sel $0x180000  }
0x61: {  	s1 =	simm.s32 $0x2;
	[bflag:$0x0] =	sbarrier.arrive $0xFFFF  }
0x62: {  	s30 =	simm.s32 $0x3;
	[sflag:s1] =	ssyncpa.u1 $0x1  }
0x63: {  	s31 =	simm.s32 $0x1;
	[sflag:s30] =	ssyncpa.u1 $0x1  }
0x64: {  	[sflag:s31] =	ssyncpa.u1 $0x1  }
0x65: {  	p0 =	sne.s32 s0, $0x0;
	_ =	strace $0x9000004D  }
0x66: {  	s0 =	sadd.s32 @!p0 $0x100000, s2;
	[bflag:$0x2] =	sbarrier.arrive $0xFFFF  }
0x67: {  	[sflag:s0] =	ssyncadd.tile.s32 @!p0 $0x1;
	_ =	shalt  }
.Lfunc_end2:
_tile_overlayer_lowered:
.L_overlay_start_2:
0x68: {  	(tag) =	ssettag $0x2  }
0x69: {  	s0 =	rddreg [dreg:$0x0];
	s2 =	stileid.u32  }
0x6a: {  	s1 =	rddreg [dreg:$0x1];
	p0 =	sne.s32 s2, $0x0  }
0x6b: {  	s3 =	rddreg [dreg:$0x2];
	[bflag:$0x3] =	sbarrier.arrive $0xFFFF;
	s2 =	simm.s32 @!p0 $0x1C01  }
0x6c: {  	[timem:s3], [sflag:s2] =	dma.local @!p0 [hbm:s0], s1  }
0x6d: {  	s0 =	simm.s32 @!p0 $0x1  }
0x6e: {  	_ =	swait.ge @!p0 [sflag:s0], s1  }
0x6f: {  	s1 =	ssub.s32 @!p0 $0x0, s1;
	[sflag:s0] =	ssyncset.done @!p0 $0x0  }
0x70: {  	[sflag:s0] =	ssyncadd.s32 @!p0 s1  }
0x71: {  	[bflag:$0x3] =	sbarrier.arrive $0xFFFF  }
0x72: {  	_ =	shalt  }

</sc_bundles>
